<compile_context>
chip_gen: v7x
topology: tpu7x:2x2x1
jax: 0.10.2.dev20260603
libtpu: 0.0.44.dev20260713+nightly
codegen_flags: <defaults>
</compile_context>

<pallas_src>
import functools

import jax
import jax.numpy as jnp
from jax import lax
from jax.experimental import pallas as pl
from jax.experimental.pallas import tpu as pltpu
from jax.experimental.pallas import tpu_sc as plsc

S = 50
NB = 16384
D = 32
NC = 2
NS = 16
NW = NC * NS
IDXW = 128
CPW = (S * NB // IDXW) // NW
G = 4
GROUP = G * IDXW
G_PER_W = CPW // G
ET = D // 8
PADW = 129
VOCABROWS = 1000000


def _emb_kernel(x_hbm, w_hbm, out_hbm, idx_v, in_v, out_v, sem_g, sem_o):
    wid = lax.axis_index("s") * NC + lax.axis_index("c")
    pltpu.sync_copy(x_hbm.at[pl.ds(wid * CPW, CPW)], idx_v)

    lane = lax.iota(jnp.int32, 16)

    def gather_group(g, p):
        for j in range(G):
            pltpu.async_copy(
                w_hbm.at[idx_v.at[g * G + j]],
                in_v.at[p].at[pl.ds(j * IDXW, IDXW)],
                sem_g,
            )

    def wait_gather(p):
        for j in range(G):
            pltpu.make_async_copy(
                w_hbm.at[pl.ds(0, IDXW)],
                in_v.at[p].at[pl.ds(j * IDXW, IDXW)],
                sem_g,
            ).wait()

    et0 = lane // 8
    et1 = (lane + 16) // 8
    ei_c = lane % 8

    def transpose_group(p):
        out_ref = out_v.at[p]
        def btc_body(btc, carry):
            btc_s = jnp.full((16,), btc, jnp.int32)
            def q_body(q4, carry2):
                for u in range(4):
                    qq = q4 * 4 + u
                    row = btc * IDXW + qq
                    bi_s = jnp.full((16,), qq, jnp.int32)
                    v0 = in_v[p, row, pl.ds(0, 16)]
                    v1 = in_v[p, row, pl.ds(16, 16)]
                    plsc.store_scatter(out_ref, [et0, btc_s, ei_c, bi_s], v0)
                    plsc.store_scatter(out_ref, [et1, btc_s, ei_c, bi_s], v1)
                return carry2
            lax.fori_loop(0, IDXW // 4, q_body, carry)
            return carry
        lax.fori_loop(0, G, btc_body, 0)

    def store_group(g, p):
        c0 = wid * CPW + g * G
        s = c0 // 128
        bt0 = c0 % 128
        for et in range(ET):
            pltpu.async_copy(
                out_v.at[p].at[et, pl.ds(0, G), pl.ds(0, 8), pl.ds(0, 128)],
                out_hbm.at[s, et, pl.ds(bt0, G)],
                sem_o,
            )

    def wait_store(p):
        for et in range(ET):
            pltpu.make_async_copy(
                out_v.at[p].at[et, pl.ds(0, G), pl.ds(0, 8), pl.ds(0, 128)],
                out_hbm.at[0, et, pl.ds(0, G)],
                sem_o,
            ).wait()

    gather_group(0, 0)

    def group_body(g, carry):
        p = g % 2
        wait_gather(p)

        @pl.when(g + 1 < G_PER_W)
        def _():
            gather_group(g + 1, 1 - p)

        @pl.when(g >= 2)
        def _():
            wait_store(p)

        transpose_group(p)
        store_group(g, p)
        return carry

    lax.fori_loop(0, G_PER_W, group_body, 0)
    wait_store(0)
    wait_store(1)


def _make_kernel():
    m = plsc.VectorSubcoreMesh(core_axis_name="c", subcore_axis_name="s")
    return functools.partial(
        pl.kernel,
        out_type=jax.ShapeDtypeStruct((S, ET, 128, 8, 128), jnp.float32),
        mesh=m,
        scratch_types=[
            pltpu.VMEM((CPW, IDXW), jnp.int32),
            pltpu.VMEM((2, GROUP, D), jnp.float32),
            pltpu.VMEM((2, ET, G, 8, PADW), jnp.float32),
            pltpu.SemaphoreType.DMA,
            pltpu.SemaphoreType.DMA,
        ],
        compiler_params=pltpu.CompilerParams(
            use_tc_tiling_on_sc=False, needs_layout_passes=False
        ),
    )(_emb_kernel)


def kernel(x, W):
    xt = jnp.reshape(
        jnp.transpose(x.astype(jnp.int32) * 4), (S * NB // IDXW, IDXW)
    )
    w4m = jnp.reshape(
        jnp.pad(W, ((0, 0), (0, 128 - D))), (4 * VOCABROWS, D)
    )
    n = _make_kernel()(xt, w4m)
    return jnp.reshape(jnp.transpose(n, (2, 4, 0, 1, 3)), (NB, S, D))

# --- scband reference (transcript-rebuilt; emitter-appended) ---
"""Pipeline reference for scband-embedding-25031069401438 (READ-ONLY COPY).

The authoritative reference and input builder live on the scoring server;
editing this copy changes nothing except your own understanding.
"""

import jax, jax.numpy as jnp
import numpy as np
import math

VOCAB_SIZE = 1000000
EMBEDDING_SIZE = 32

def setup_inputs(seed: int = 0) -> dict:
    key = jax.random.key(seed)
    k_idx, k_w = jax.random.split(key)
    x = jax.random.randint(k_idx, (16384, 50), 0, VOCAB_SIZE, dtype=jnp.int64 if jax.config.jax_enable_x64 else jnp.int32)
    stdv = 1.0 / np.sqrt(VOCAB_SIZE)
    bound = math.sqrt(3) * stdv
    W = jax.random.uniform(k_w, (VOCAB_SIZE, EMBEDDING_SIZE), minval=-bound, maxval=bound, dtype=jnp.float32)
    return {"x": x, "W": W}

def reference(x, W):
    # Faithful translation of Embedding.forward: return self.W[x]
    return jnp.take(W, x, axis=0)

if __name__ == "__main__":
    import jax
    _d = setup_inputs()
    print(jax.jit(kernel)(*tuple(_d.values())))

</pallas_src>

<mosaic_0001>
#map = affine_map<(d0, d1) -> (0, 0)>
#map1 = affine_map<(d0, d1) -> (0, 0, 0, 0, 0)>
module attributes {stable_mosaic.version = 14 : i64} {
  func.func @_emb_kernel(%arg0: i32, %arg1: i32, %arg2: memref<6400x128xi32, #tpu.memory_space<hbm>>, %arg3: memref<4000000x32xf32, #tpu.memory_space<hbm>>, %arg4: memref<50x4x128x8x128xf32, #tpu.memory_space<hbm>>, %arg5: memref<200x128xi32, #tpu.memory_space<vmem>>, %arg6: memref<2x512x32xf32, #tpu.memory_space<vmem>>, %arg7: memref<2x4x4x8x129xf32, #tpu.memory_space<vmem>>, %arg8: memref<!tpu.dma_semaphore, #tpu.memory_space<semaphore_mem>>, %arg9: memref<!tpu.dma_semaphore, #tpu.memory_space<semaphore_mem>>) attributes {dimension_semantics = [#tpu.dimension_semantics<core_parallel>, #tpu.dimension_semantics<subcore_parallel>], iteration_bounds = array<i64: 2, 16>, scalar_prefetch = 0 : i64, scratch_operands = 5 : i64, tpu.core_type = #tpu.core_type<sc_vector_subcore>, window_params = [{transform_indices = #map}, {transform_indices = #map}, {transform_indices = #map1}]} {
    %mul3A = arith.constant 2 : i32
    %mul3A_0 = arith.muli %arg1, %mul3A : i32
    %add3A = arith.addi %mul3A_0, %arg0 : i32
    %mul3A_1 = arith.constant 200 : i32
    %mul3A_2 = arith.muli %add3A, %mul3A_1 : i32
    "tpu.region"() ({
      %run_scoped3A = tpu.sem_alloc : memref<!tpu.dma_semaphore, #tpu.memory_space<semaphore_mem>>
      %dma_start3A_431 = arith.constant 0 : i32
      %dma_start3A_432 = tpu.memref_slice %arg2[%mul3A_2, %dma_start3A_431] : memref<6400x128xi32, #tpu.memory_space<hbm>> -> memref<200x128xi32, #tpu.memory_space<hbm>>
      %dma_start3A_433 = arith.constant 0 : i32
      %dma_start3A_434 = tpu.memref_slice %arg2[%mul3A_2, %dma_start3A_433] : memref<6400x128xi32, #tpu.memory_space<hbm>> -> memref<200x128xi32, #tpu.memory_space<hbm>>
      tpu.enqueue_dma source(%dma_start3A_434 : memref<200x128xi32, #tpu.memory_space<hbm>>) target(%arg5 : memref<200x128xi32, #tpu.memory_space<vmem>>) target_semaphore(%run_scoped3A : memref<!tpu.dma_semaphore, #tpu.memory_space<semaphore_mem>>)
      %dma_wait3A_435 = arith.constant 0 : i32
      %dma_wait3A_436 = tpu.memref_slice %arg2[%mul3A_2, %dma_wait3A_435] : memref<6400x128xi32, #tpu.memory_space<hbm>> -> memref<200x128xi32, #tpu.memory_space<hbm>>
      %dma_wait3A_437 = arith.constant 0 : i32
      %dma_wait3A_438 = tpu.memref_slice %arg2[%mul3A_2, %dma_wait3A_437] : memref<6400x128xi32, #tpu.memory_space<hbm>> -> memref<200x128xi32, #tpu.memory_space<hbm>>
      tpu.wait_dma2 semaphore(%run_scoped3A : memref<!tpu.dma_semaphore, #tpu.memory_space<semaphore_mem>>) src(%dma_wait3A_438 : memref<200x128xi32, #tpu.memory_space<hbm>>) dst(%arg5 : memref<200x128xi32, #tpu.memory_space<vmem>>)
      tpu.yield
    }) : () -> ()
    %iota3A = tpu.iota {dimensions = array<i32: 0>} : vector<16xi32>
    %jit3A = arith.constant 8 : i32
    %div3A = vector.broadcast %jit3A : i32 to vector<16xi32>
    %div3A_3 = arith.divsi %iota3A, %div3A : vector<16xi32>
    %sign3A = arith.constant 0 : i32
    %sign3A_4 = vector.broadcast %sign3A : i32 to vector<16xi32>
    %sign3A_5 = arith.cmpi sgt, %iota3A, %sign3A_4 : vector<16xi32>
    %sign3A_6 = arith.extui %sign3A_5 : vector<16xi1> to vector<16xi32>
    %sign3A_7 = arith.constant 0 : i32
    %sign3A_8 = vector.broadcast %sign3A_7 : i32 to vector<16xi32>
    %sign3A_9 = arith.cmpi slt, %iota3A, %sign3A_8 : vector<16xi32>
    %sign3A_10 = arith.extui %sign3A_9 : vector<16xi1> to vector<16xi32>
    %sign3A_11 = arith.subi %sign3A_6, %sign3A_10 : vector<16xi32>
    %sign3A_12 = arith.constant 0 : i32
    %sign3A_13 = arith.cmpi sgt, %jit3A, %sign3A_12 : i32
    %sign3A_14 = arith.extui %sign3A_13 : i1 to i32
    %sign3A_15 = arith.constant 0 : i32
    %sign3A_16 = arith.cmpi slt, %jit3A, %sign3A_15 : i32
    %sign3A_17 = arith.extui %sign3A_16 : i1 to i32
    %sign3A_18 = arith.subi %sign3A_14, %sign3A_17 : i32
    %ne3A = vector.broadcast %sign3A_18 : i32 to vector<16xi32>
    %ne3A_19 = arith.cmpi ne, %sign3A_11, %ne3A : vector<16xi32>
    %rem3A = vector.broadcast %jit3A : i32 to vector<16xi32>
    %rem3A_20 = arith.remsi %iota3A, %rem3A : vector<16xi32>
    %ne3A_21 = arith.constant 0 : i32
    %ne3A_22 = vector.broadcast %ne3A_21 : i32 to vector<16xi32>
    %ne3A_23 = arith.cmpi ne, %rem3A_20, %ne3A_22 : vector<16xi32>
    %and3A = arith.andi %ne3A_19, %ne3A_23 : vector<16xi1>
    %sub3A = arith.constant 1 : i32
    %sub3A_24 = vector.broadcast %sub3A : i32 to vector<16xi32>
    %sub3A_25 = arith.subi %div3A_3, %sub3A_24 : vector<16xi32>
    %select_n3A = arith.select %and3A, %sub3A_25, %div3A_3 : vector<16xi1>, vector<16xi32>
    %add3A_26 = arith.constant 16 : i32
    %add3A_27 = vector.broadcast %add3A_26 : i32 to vector<16xi32>
    %add3A_28 = arith.addi %iota3A, %add3A_27 : vector<16xi32>
    %jit3A_29 = arith.constant 8 : i32
    %div3A_30 = vector.broadcast %jit3A_29 : i32 to vector<16xi32>
    %div3A_31 = arith.divsi %add3A_28, %div3A_30 : vector<16xi32>
    %sign3A_32 = arith.constant 0 : i32
    %sign3A_33 = vector.broadcast %sign3A_32 : i32 to vector<16xi32>
    %sign3A_34 = arith.cmpi sgt, %add3A_28, %sign3A_33 : vector<16xi32>
    %sign3A_35 = arith.extui %sign3A_34 : vector<16xi1> to vector<16xi32>
    %sign3A_36 = arith.constant 0 : i32
    %sign3A_37 = vector.broadcast %sign3A_36 : i32 to vector<16xi32>
    %sign3A_38 = arith.cmpi slt, %add3A_28, %sign3A_37 : vector<16xi32>
    %sign3A_39 = arith.extui %sign3A_38 : vector<16xi1> to vector<16xi32>
    %sign3A_40 = arith.subi %sign3A_35, %sign3A_39 : vector<16xi32>
    %sign3A_41 = arith.constant 0 : i32
    %sign3A_42 = arith.cmpi sgt, %jit3A_29, %sign3A_41 : i32
    %sign3A_43 = arith.extui %sign3A_42 : i1 to i32
    %sign3A_44 = arith.constant 0 : i32
    %sign3A_45 = arith.cmpi slt, %jit3A_29, %sign3A_44 : i32
    %sign3A_46 = arith.extui %sign3A_45 : i1 to i32
    %sign3A_47 = arith.subi %sign3A_43, %sign3A_46 : i32
    %ne3A_48 = vector.broadcast %sign3A_47 : i32 to vector<16xi32>
    %ne3A_49 = arith.cmpi ne, %sign3A_40, %ne3A_48 : vector<16xi32>
    %rem3A_50 = vector.broadcast %jit3A_29 : i32 to vector<16xi32>
    %rem3A_51 = arith.remsi %add3A_28, %rem3A_50 : vector<16xi32>
    %ne3A_52 = arith.constant 0 : i32
    %ne3A_53 = vector.broadcast %ne3A_52 : i32 to vector<16xi32>
    %ne3A_54 = arith.cmpi ne, %rem3A_51, %ne3A_53 : vector<16xi32>
    %and3A_55 = arith.andi %ne3A_49, %ne3A_54 : vector<16xi1>
    %sub3A_56 = arith.constant 1 : i32
    %sub3A_57 = vector.broadcast %sub3A_56 : i32 to vector<16xi32>
    %sub3A_58 = arith.subi %div3A_31, %sub3A_57 : vector<16xi32>
    %select_n3A_59 = arith.select %and3A_55, %sub3A_58, %div3A_31 : vector<16xi1>, vector<16xi32>
    %jit3A_60 = arith.constant 8 : i32
    %eq3A = arith.constant 0 : i32
    %eq3A_61 = arith.cmpi eq, %jit3A_60, %eq3A : i32
    %jit3A_62 = arith.constant 1 : i32
    %select_n3A_63 = arith.select %eq3A_61, %jit3A_62, %jit3A_60 : i32
    %rem3A_64 = vector.broadcast %select_n3A_63 : i32 to vector<16xi32>
    %rem3A_65 = arith.remsi %iota3A, %rem3A_64 : vector<16xi32>
    %ne3A_66 = arith.constant 0 : i32
    %ne3A_67 = vector.broadcast %ne3A_66 : i32 to vector<16xi32>
    %ne3A_68 = arith.cmpi ne, %rem3A_65, %ne3A_67 : vector<16xi32>
    %lt3A = arith.constant 0 : i32
    %lt3A_69 = vector.broadcast %lt3A : i32 to vector<16xi32>
    %lt3A_70 = arith.cmpi slt, %rem3A_65, %lt3A_69 : vector<16xi32>
    %lt3A_71 = arith.constant 0 : i32
    %lt3A_72 = arith.cmpi slt, %select_n3A_63, %lt3A_71 : i32
    %ne3A_73 = vector.broadcast %lt3A_72 : i1 to vector<16xi1>
    %ne3A_74 = vector.broadcast %ne3A_73 : vector<16xi1> to vector<16xi1>
    %ne3A_75 = arith.xori %lt3A_70, %ne3A_74 : vector<16xi1>
    %and3A_76 = arith.andi %ne3A_75, %ne3A_68 : vector<16xi1>
    %add3A_77 = vector.broadcast %select_n3A_63 : i32 to vector<16xi32>
    %add3A_78 = arith.addi %rem3A_65, %add3A_77 : vector<16xi32>
    %select_n3A_79 = arith.select %and3A_76, %add3A_78, %rem3A_65 : vector<16xi1>, vector<16xi32>
    %dma_start3A = arith.constant 0 : i32
    %dma_start3A_80 = arith.constant 0 : i32
    %dma_start3A_81 = arith.constant 0 : i32
    %dma_start3A_82 = arith.constant 0 : i32
    %dma_start3A_83 = tpu.memref_slice %arg6[%dma_start3A_80, %dma_start3A_81, %dma_start3A_82] : memref<2x512x32xf32, #tpu.memory_space<vmem>> -> memref<1x512x32xf32, #tpu.memory_space<vmem>>
    %dma_start3A_84 = tpu.memref_squeeze %dma_start3A_83 : memref<1x512x32xf32, #tpu.memory_space<vmem>> -> memref<512x32xf32, #tpu.memory_space<vmem>>
    %dma_start3A_85 = arith.constant 0 : i32
    %dma_start3A_86 = arith.constant 0 : i32
    %dma_start3A_87 = tpu.memref_slice %dma_start3A_84[%dma_start3A_85, %dma_start3A_86] : memref<512x32xf32, #tpu.memory_space<vmem>> -> memref<128x32xf32, #tpu.memory_space<vmem>>
    %dma_start3A_88 = arith.constant 0 : i32
    %dma_start3A_89 = tpu.memref_slice %arg5[%dma_start3A, %dma_start3A_88] : memref<200x128xi32, #tpu.memory_space<vmem>> -> memref<1x128xi32, #tpu.memory_space<vmem>>
    %dma_start3A_90 = tpu.memref_squeeze %dma_start3A_89 : memref<1x128xi32, #tpu.memory_space<vmem>> -> memref<128xi32, #tpu.memory_space<vmem>>
    %dma_start3A_91 = arith.constant 0 : i32
    %dma_start3A_92 = arith.constant 0 : i32
    %dma_start3A_93 = tpu.memref_slice %arg3[%dma_start3A_91, %dma_start3A_92] : memref<4000000x32xf32, #tpu.memory_space<hbm>> -> memref<4000000x32xf32, #tpu.memory_space<hbm>>
    tpu.enqueue_indirect_dma source(%dma_start3A_93 : memref<4000000x32xf32, #tpu.memory_space<hbm>>) target(%dma_start3A_87 : memref<128x32xf32, #tpu.memory_space<vmem>>) offsets(%dma_start3A_90 : memref<128xi32, #tpu.memory_space<vmem>>) semaphore(%arg8 : memref<!tpu.dma_semaphore, #tpu.memory_space<semaphore_mem>>)
    %dma_start3A_94 = arith.constant 1 : i32
    %dma_start3A_95 = arith.constant 0 : i32
    %dma_start3A_96 = arith.constant 0 : i32
    %dma_start3A_97 = arith.constant 0 : i32
    %dma_start3A_98 = tpu.memref_slice %arg6[%dma_start3A_95, %dma_start3A_96, %dma_start3A_97] : memref<2x512x32xf32, #tpu.memory_space<vmem>> -> memref<1x512x32xf32, #tpu.memory_space<vmem>>
    %dma_start3A_99 = tpu.memref_squeeze %dma_start3A_98 : memref<1x512x32xf32, #tpu.memory_space<vmem>> -> memref<512x32xf32, #tpu.memory_space<vmem>>
    %dma_start3A_100 = arith.constant 128 : i32
    %dma_start3A_101 = arith.constant 0 : i32
    %dma_start3A_102 = tpu.memref_slice %dma_start3A_99[%dma_start3A_100, %dma_start3A_101] : memref<512x32xf32, #tpu.memory_space<vmem>> -> memref<128x32xf32, #tpu.memory_space<vmem>>
    %dma_start3A_103 = arith.constant 0 : i32
    %dma_start3A_104 = tpu.memref_slice %arg5[%dma_start3A_94, %dma_start3A_103] : memref<200x128xi32, #tpu.memory_space<vmem>> -> memref<1x128xi32, #tpu.memory_space<vmem>>
    %dma_start3A_105 = tpu.memref_squeeze %dma_start3A_104 : memref<1x128xi32, #tpu.memory_space<vmem>> -> memref<128xi32, #tpu.memory_space<vmem>>
    %dma_start3A_106 = arith.constant 0 : i32
    %dma_start3A_107 = arith.constant 0 : i32
    %dma_start3A_108 = tpu.memref_slice %arg3[%dma_start3A_106, %dma_start3A_107] : memref<4000000x32xf32, #tpu.memory_space<hbm>> -> memref<4000000x32xf32, #tpu.memory_space<hbm>>
    tpu.enqueue_indirect_dma source(%dma_start3A_108 : memref<4000000x32xf32, #tpu.memory_space<hbm>>) target(%dma_start3A_102 : memref<128x32xf32, #tpu.memory_space<vmem>>) offsets(%dma_start3A_105 : memref<128xi32, #tpu.memory_space<vmem>>) semaphore(%arg8 : memref<!tpu.dma_semaphore, #tpu.memory_space<semaphore_mem>>)
    %dma_start3A_109 = arith.constant 2 : i32
    %dma_start3A_110 = arith.constant 0 : i32
    %dma_start3A_111 = arith.constant 0 : i32
    %dma_start3A_112 = arith.constant 0 : i32
    %dma_start3A_113 = tpu.memref_slice %arg6[%dma_start3A_110, %dma_start3A_111, %dma_start3A_112] : memref<2x512x32xf32, #tpu.memory_space<vmem>> -> memref<1x512x32xf32, #tpu.memory_space<vmem>>
    %dma_start3A_114 = tpu.memref_squeeze %dma_start3A_113 : memref<1x512x32xf32, #tpu.memory_space<vmem>> -> memref<512x32xf32, #tpu.memory_space<vmem>>
    %dma_start3A_115 = arith.constant 256 : i32
    %dma_start3A_116 = arith.constant 0 : i32
    %dma_start3A_117 = tpu.memref_slice %dma_start3A_114[%dma_start3A_115, %dma_start3A_116] : memref<512x32xf32, #tpu.memory_space<vmem>> -> memref<128x32xf32, #tpu.memory_space<vmem>>
    %dma_start3A_118 = arith.constant 0 : i32
    %dma_start3A_119 = tpu.memref_slice %arg5[%dma_start3A_109, %dma_start3A_118] : memref<200x128xi32, #tpu.memory_space<vmem>> -> memref<1x128xi32, #tpu.memory_space<vmem>>
    %dma_start3A_120 = tpu.memref_squeeze %dma_start3A_119 : memref<1x128xi32, #tpu.memory_space<vmem>> -> memref<128xi32, #tpu.memory_space<vmem>>
    %dma_start3A_121 = arith.constant 0 : i32
    %dma_start3A_122 = arith.constant 0 : i32
    %dma_start3A_123 = tpu.memref_slice %arg3[%dma_start3A_121, %dma_start3A_122] : memref<4000000x32xf32, #tpu.memory_space<hbm>> -> memref<4000000x32xf32, #tpu.memory_space<hbm>>
    tpu.enqueue_indirect_dma source(%dma_start3A_123 : memref<4000000x32xf32, #tpu.memory_space<hbm>>) target(%dma_start3A_117 : memref<128x32xf32, #tpu.memory_space<vmem>>) offsets(%dma_start3A_120 : memref<128xi32, #tpu.memory_space<vmem>>) semaphore(%arg8 : memref<!tpu.dma_semaphore, #tpu.memory_space<semaphore_mem>>)
    %dma_start3A_124 = arith.constant 3 : i32
    %dma_start3A_125 = arith.constant 0 : i32
    %dma_start3A_126 = arith.constant 0 : i32
    %dma_start3A_127 = arith.constant 0 : i32
    %dma_start3A_128 = tpu.memref_slice %arg6[%dma_start3A_125, %dma_start3A_126, %dma_start3A_127] : memref<2x512x32xf32, #tpu.memory_space<vmem>> -> memref<1x512x32xf32, #tpu.memory_space<vmem>>
    %dma_start3A_129 = tpu.memref_squeeze %dma_start3A_128 : memref<1x512x32xf32, #tpu.memory_space<vmem>> -> memref<512x32xf32, #tpu.memory_space<vmem>>
    %dma_start3A_130 = arith.constant 384 : i32
    %dma_start3A_131 = arith.constant 0 : i32
    %dma_start3A_132 = tpu.memref_slice %dma_start3A_129[%dma_start3A_130, %dma_start3A_131] : memref<512x32xf32, #tpu.memory_space<vmem>> -> memref<128x32xf32, #tpu.memory_space<vmem>>
    %dma_start3A_133 = arith.constant 0 : i32
    %dma_start3A_134 = tpu.memref_slice %arg5[%dma_start3A_124, %dma_start3A_133] : memref<200x128xi32, #tpu.memory_space<vmem>> -> memref<1x128xi32, #tpu.memory_space<vmem>>
    %dma_start3A_135 = tpu.memref_squeeze %dma_start3A_134 : memref<1x128xi32, #tpu.memory_space<vmem>> -> memref<128xi32, #tpu.memory_space<vmem>>
    %dma_start3A_136 = arith.constant 0 : i32
    %dma_start3A_137 = arith.constant 0 : i32
    %dma_start3A_138 = tpu.memref_slice %arg3[%dma_start3A_136, %dma_start3A_137] : memref<4000000x32xf32, #tpu.memory_space<hbm>> -> memref<4000000x32xf32, #tpu.memory_space<hbm>>
    tpu.enqueue_indirect_dma source(%dma_start3A_138 : memref<4000000x32xf32, #tpu.memory_space<hbm>>) target(%dma_start3A_132 : memref<128x32xf32, #tpu.memory_space<vmem>>) offsets(%dma_start3A_135 : memref<128xi32, #tpu.memory_space<vmem>>) semaphore(%arg8 : memref<!tpu.dma_semaphore, #tpu.memory_space<semaphore_mem>>)
    %scan3A = arith.constant 0 : i32
    %scan3A_139 = arith.constant 0 : i32
    %scan3A_140 = arith.constant 50 : i32
    %scan3A_141 = arith.addi %scan3A_139, %scan3A_140 : i32
    %scan3A_142 = arith.constant 1 : i32
    scf.for %scan3A_431 = %scan3A_139 to %scan3A_141 step %scan3A_142  : i32 {
      %jit3A_432 = arith.constant 2 : i32
      %eq3A_433 = arith.constant 0 : i32
      %eq3A_434 = arith.cmpi eq, %jit3A_432, %eq3A_433 : i32
      %jit3A_435 = arith.constant 1 : i32
      %select_n3A_436 = arith.select %eq3A_434, %jit3A_435, %jit3A_432 : i32
      %rem3A_437 = arith.remsi %scan3A_431, %select_n3A_436 : i32
      %ne3A_438 = arith.constant 0 : i32
      %ne3A_439 = arith.cmpi ne, %rem3A_437, %ne3A_438 : i32
      %lt3A_440 = arith.constant 0 : i32
      %lt3A_441 = arith.cmpi slt, %rem3A_437, %lt3A_440 : i32
      %lt3A_442 = arith.constant 0 : i32
      %lt3A_443 = arith.cmpi slt, %select_n3A_436, %lt3A_442 : i32
      %ne3A_444 = arith.xori %lt3A_441, %lt3A_443 : i1
      %and3A_445 = arith.andi %ne3A_444, %ne3A_439 : i1
      %add3A_446 = arith.addi %rem3A_437, %select_n3A_436 : i32
      %select_n3A_447 = arith.select %and3A_445, %add3A_446, %rem3A_437 : i32
      %dma_wait3A_448 = arith.constant 0 : i32
      %dma_wait3A_449 = arith.constant 0 : i32
      %dma_wait3A_450 = tpu.memref_slice %arg6[%select_n3A_447, %dma_wait3A_448, %dma_wait3A_449] : memref<2x512x32xf32, #tpu.memory_space<vmem>> -> memref<1x512x32xf32, #tpu.memory_space<vmem>>
      %dma_wait3A_451 = tpu.memref_squeeze %dma_wait3A_450 : memref<1x512x32xf32, #tpu.memory_space<vmem>> -> memref<512x32xf32, #tpu.memory_space<vmem>>
      %dma_wait3A_452 = arith.constant 0 : i32
      %dma_wait3A_453 = arith.constant 0 : i32
      %dma_wait3A_454 = tpu.memref_slice %dma_wait3A_451[%dma_wait3A_452, %dma_wait3A_453] : memref<512x32xf32, #tpu.memory_space<vmem>> -> memref<128x32xf32, #tpu.memory_space<vmem>>
      %dma_wait3A_455 = arith.constant 0 : i32
      %dma_wait3A_456 = arith.constant 0 : i32
      %dma_wait3A_457 = tpu.memref_slice %arg3[%dma_wait3A_455, %dma_wait3A_456] : memref<4000000x32xf32, #tpu.memory_space<hbm>> -> memref<128x32xf32, #tpu.memory_space<hbm>>
      %dma_wait3A_458 = arith.constant 0 : i32
      %dma_wait3A_459 = arith.constant 0 : i32
      %dma_wait3A_460 = tpu.memref_slice %arg6[%select_n3A_447, %dma_wait3A_458, %dma_wait3A_459] : memref<2x512x32xf32, #tpu.memory_space<vmem>> -> memref<1x512x32xf32, #tpu.memory_space<vmem>>
      %dma_wait3A_461 = tpu.memref_squeeze %dma_wait3A_460 : memref<1x512x32xf32, #tpu.memory_space<vmem>> -> memref<512x32xf32, #tpu.memory_space<vmem>>
      %dma_wait3A_462 = arith.constant 0 : i32
      %dma_wait3A_463 = arith.constant 0 : i32
      %dma_wait3A_464 = tpu.memref_slice %dma_wait3A_461[%dma_wait3A_462, %dma_wait3A_463] : memref<512x32xf32, #tpu.memory_space<vmem>> -> memref<128x32xf32, #tpu.memory_space<vmem>>
      %dma_wait3A_465 = arith.constant 0 : i32
      %dma_wait3A_466 = arith.constant 0 : i32
      %dma_wait3A_467 = tpu.memref_slice %arg3[%dma_wait3A_465, %dma_wait3A_466] : memref<4000000x32xf32, #tpu.memory_space<hbm>> -> memref<128x32xf32, #tpu.memory_space<hbm>>
      tpu.wait_dma2 semaphore(%arg8 : memref<!tpu.dma_semaphore, #tpu.memory_space<semaphore_mem>>) src(%dma_wait3A_467 : memref<128x32xf32, #tpu.memory_space<hbm>>) dst(%dma_wait3A_464 : memref<128x32xf32, #tpu.memory_space<vmem>>)
      %dma_wait3A_468 = arith.constant 0 : i32
      %dma_wait3A_469 = arith.constant 0 : i32
      %dma_wait3A_470 = tpu.memref_slice %arg6[%select_n3A_447, %dma_wait3A_468, %dma_wait3A_469] : memref<2x512x32xf32, #tpu.memory_space<vmem>> -> memref<1x512x32xf32, #tpu.memory_space<vmem>>
      %dma_wait3A_471 = tpu.memref_squeeze %dma_wait3A_470 : memref<1x512x32xf32, #tpu.memory_space<vmem>> -> memref<512x32xf32, #tpu.memory_space<vmem>>
      %dma_wait3A_472 = arith.constant 128 : i32
      %dma_wait3A_473 = arith.constant 0 : i32
      %dma_wait3A_474 = tpu.memref_slice %dma_wait3A_471[%dma_wait3A_472, %dma_wait3A_473] : memref<512x32xf32, #tpu.memory_space<vmem>> -> memref<128x32xf32, #tpu.memory_space<vmem>>
      %dma_wait3A_475 = arith.constant 0 : i32
      %dma_wait3A_476 = arith.constant 0 : i32
      %dma_wait3A_477 = tpu.memref_slice %arg3[%dma_wait3A_475, %dma_wait3A_476] : memref<4000000x32xf32, #tpu.memory_space<hbm>> -> memref<128x32xf32, #tpu.memory_space<hbm>>
      %dma_wait3A_478 = arith.constant 0 : i32
      %dma_wait3A_479 = arith.constant 0 : i32
      %dma_wait3A_480 = tpu.memref_slice %arg6[%select_n3A_447, %dma_wait3A_478, %dma_wait3A_479] : memref<2x512x32xf32, #tpu.memory_space<vmem>> -> memref<1x512x32xf32, #tpu.memory_space<vmem>>
      %dma_wait3A_481 = tpu.memref_squeeze %dma_wait3A_480 : memref<1x512x32xf32, #tpu.memory_space<vmem>> -> memref<512x32xf32, #tpu.memory_space<vmem>>
      %dma_wait3A_482 = arith.constant 128 : i32
      %dma_wait3A_483 = arith.constant 0 : i32
      %dma_wait3A_484 = tpu.memref_slice %dma_wait3A_481[%dma_wait3A_482, %dma_wait3A_483] : memref<512x32xf32, #tpu.memory_space<vmem>> -> memref<128x32xf32, #tpu.memory_space<vmem>>
      %dma_wait3A_485 = arith.constant 0 : i32
      %dma_wait3A_486 = arith.constant 0 : i32
      %dma_wait3A_487 = tpu.memref_slice %arg3[%dma_wait3A_485, %dma_wait3A_486] : memref<4000000x32xf32, #tpu.memory_space<hbm>> -> memref<128x32xf32, #tpu.memory_space<hbm>>
      tpu.wait_dma2 semaphore(%arg8 : memref<!tpu.dma_semaphore, #tpu.memory_space<semaphore_mem>>) src(%dma_wait3A_487 : memref<128x32xf32, #tpu.memory_space<hbm>>) dst(%dma_wait3A_484 : memref<128x32xf32, #tpu.memory_space<vmem>>)
      %dma_wait3A_488 = arith.constant 0 : i32
      %dma_wait3A_489 = arith.constant 0 : i32
      %dma_wait3A_490 = tpu.memref_slice %arg6[%select_n3A_447, %dma_wait3A_488, %dma_wait3A_489] : memref<2x512x32xf32, #tpu.memory_space<vmem>> -> memref<1x512x32xf32, #tpu.memory_space<vmem>>
      %dma_wait3A_491 = tpu.memref_squeeze %dma_wait3A_490 : memref<1x512x32xf32, #tpu.memory_space<vmem>> -> memref<512x32xf32, #tpu.memory_space<vmem>>
      %dma_wait3A_492 = arith.constant 256 : i32
      %dma_wait3A_493 = arith.constant 0 : i32
      %dma_wait3A_494 = tpu.memref_slice %dma_wait3A_491[%dma_wait3A_492, %dma_wait3A_493] : memref<512x32xf32, #tpu.memory_space<vmem>> -> memref<128x32xf32, #tpu.memory_space<vmem>>
      %dma_wait3A_495 = arith.constant 0 : i32
      %dma_wait3A_496 = arith.constant 0 : i32
      %dma_wait3A_497 = tpu.memref_slice %arg3[%dma_wait3A_495, %dma_wait3A_496] : memref<4000000x32xf32, #tpu.memory_space<hbm>> -> memref<128x32xf32, #tpu.memory_space<hbm>>
      %dma_wait3A_498 = arith.constant 0 : i32
      %dma_wait3A_499 = arith.constant 0 : i32
      %dma_wait3A_500 = tpu.memref_slice %arg6[%select_n3A_447, %dma_wait3A_498, %dma_wait3A_499] : memref<2x512x32xf32, #tpu.memory_space<vmem>> -> memref<1x512x32xf32, #tpu.memory_space<vmem>>
      %dma_wait3A_501 = tpu.memref_squeeze %dma_wait3A_500 : memref<1x512x32xf32, #tpu.memory_space<vmem>> -> memref<512x32xf32, #tpu.memory_space<vmem>>
      %dma_wait3A_502 = arith.constant 256 : i32
      %dma_wait3A_503 = arith.constant 0 : i32
      %dma_wait3A_504 = tpu.memref_slice %dma_wait3A_501[%dma_wait3A_502, %dma_wait3A_503] : memref<512x32xf32, #tpu.memory_space<vmem>> -> memref<128x32xf32, #tpu.memory_space<vmem>>
      %dma_wait3A_505 = arith.constant 0 : i32
      %dma_wait3A_506 = arith.constant 0 : i32
      %dma_wait3A_507 = tpu.memref_slice %arg3[%dma_wait3A_505, %dma_wait3A_506] : memref<4000000x32xf32, #tpu.memory_space<hbm>> -> memref<128x32xf32, #tpu.memory_space<hbm>>
      tpu.wait_dma2 semaphore(%arg8 : memref<!tpu.dma_semaphore, #tpu.memory_space<semaphore_mem>>) src(%dma_wait3A_507 : memref<128x32xf32, #tpu.memory_space<hbm>>) dst(%dma_wait3A_504 : memref<128x32xf32, #tpu.memory_space<vmem>>)
      %dma_wait3A_508 = arith.constant 0 : i32
      %dma_wait3A_509 = arith.constant 0 : i32
      %dma_wait3A_510 = tpu.memref_slice %arg6[%select_n3A_447, %dma_wait3A_508, %dma_wait3A_509] : memref<2x512x32xf32, #tpu.memory_space<vmem>> -> memref<1x512x32xf32, #tpu.memory_space<vmem>>
      %dma_wait3A_511 = tpu.memref_squeeze %dma_wait3A_510 : memref<1x512x32xf32, #tpu.memory_space<vmem>> -> memref<512x32xf32, #tpu.memory_space<vmem>>
      %dma_wait3A_512 = arith.constant 384 : i32
      %dma_wait3A_513 = arith.constant 0 : i32
      %dma_wait3A_514 = tpu.memref_slice %dma_wait3A_511[%dma_wait3A_512, %dma_wait3A_513] : memref<512x32xf32, #tpu.memory_space<vmem>> -> memref<128x32xf32, #tpu.memory_space<vmem>>
      %dma_wait3A_515 = arith.constant 0 : i32
      %dma_wait3A_516 = arith.constant 0 : i32
      %dma_wait3A_517 = tpu.memref_slice %arg3[%dma_wait3A_515, %dma_wait3A_516] : memref<4000000x32xf32, #tpu.memory_space<hbm>> -> memref<128x32xf32, #tpu.memory_space<hbm>>
      %dma_wait3A_518 = arith.constant 0 : i32
      %dma_wait3A_519 = arith.constant 0 : i32
      %dma_wait3A_520 = tpu.memref_slice %arg6[%select_n3A_447, %dma_wait3A_518, %dma_wait3A_519] : memref<2x512x32xf32, #tpu.memory_space<vmem>> -> memref<1x512x32xf32, #tpu.memory_space<vmem>>
      %dma_wait3A_521 = tpu.memref_squeeze %dma_wait3A_520 : memref<1x512x32xf32, #tpu.memory_space<vmem>> -> memref<512x32xf32, #tpu.memory_space<vmem>>
      %dma_wait3A_522 = arith.constant 384 : i32
      %dma_wait3A_523 = arith.constant 0 : i32
      %dma_wait3A_524 = tpu.memref_slice %dma_wait3A_521[%dma_wait3A_522, %dma_wait3A_523] : memref<512x32xf32, #tpu.memory_space<vmem>> -> memref<128x32xf32, #tpu.memory_space<vmem>>
      %dma_wait3A_525 = arith.constant 0 : i32
      %dma_wait3A_526 = arith.constant 0 : i32
      %dma_wait3A_527 = tpu.memref_slice %arg3[%dma_wait3A_525, %dma_wait3A_526] : memref<4000000x32xf32, #tpu.memory_space<hbm>> -> memref<128x32xf32, #tpu.memory_space<hbm>>
      tpu.wait_dma2 semaphore(%arg8 : memref<!tpu.dma_semaphore, #tpu.memory_space<semaphore_mem>>) src(%dma_wait3A_527 : memref<128x32xf32, #tpu.memory_space<hbm>>) dst(%dma_wait3A_524 : memref<128x32xf32, #tpu.memory_space<vmem>>)
      %add3A_528 = arith.constant 1 : i32
      %add3A_529 = arith.addi %scan3A_431, %add3A_528 : i32
      %lt3A_530 = arith.constant 50 : i32
      %lt3A_531 = arith.cmpi slt, %add3A_529, %lt3A_530 : i32
      %convert_element_type3A = arith.extui %lt3A_531 : i1 to i32
      %cond3A = arith.constant 0 : i32
      %cond3A_532 = arith.cmpi ne, %convert_element_type3A, %cond3A : i32
      scf.if %cond3A_532 {
        %add3A_716 = arith.constant 1 : i32
        %add3A_717 = arith.addi %scan3A_431, %add3A_716 : i32
        %sub3A_718 = arith.constant 1 : i32
        %sub3A_719 = arith.subi %sub3A_718, %select_n3A_447 : i32
        %mul3A_720 = arith.constant 4 : i32
        %mul3A_721 = arith.muli %add3A_717, %mul3A_720 : i32
        %add3A_722 = arith.constant 0 : i32
        %add3A_723 = arith.addi %mul3A_721, %add3A_722 : i32
        %dma_start3A_724 = arith.constant 0 : i32
        %dma_start3A_725 = arith.constant 0 : i32
        %dma_start3A_726 = tpu.memref_slice %arg6[%sub3A_719, %dma_start3A_724, %dma_start3A_725] : memref<2x512x32xf32, #tpu.memory_space<vmem>> -> memref<1x512x32xf32, #tpu.memory_space<vmem>>
        %dma_start3A_727 = tpu.memref_squeeze %dma_start3A_726 : memref<1x512x32xf32, #tpu.memory_space<vmem>> -> memref<512x32xf32, #tpu.memory_space<vmem>>
        %dma_start3A_728 = arith.constant 0 : i32
        %dma_start3A_729 = arith.constant 0 : i32
        %dma_start3A_730 = tpu.memref_slice %dma_start3A_727[%dma_start3A_728, %dma_start3A_729] : memref<512x32xf32, #tpu.memory_space<vmem>> -> memref<128x32xf32, #tpu.memory_space<vmem>>
        %dma_start3A_731 = arith.constant 0 : i32
        %dma_start3A_732 = tpu.memref_slice %arg5[%add3A_723, %dma_start3A_731] : memref<200x128xi32, #tpu.memory_space<vmem>> -> memref<1x128xi32, #tpu.memory_space<vmem>>
        %dma_start3A_733 = tpu.memref_squeeze %dma_start3A_732 : memref<1x128xi32, #tpu.memory_space<vmem>> -> memref<128xi32, #tpu.memory_space<vmem>>
        %dma_start3A_734 = arith.constant 0 : i32
        %dma_start3A_735 = arith.constant 0 : i32
        %dma_start3A_736 = tpu.memref_slice %arg3[%dma_start3A_734, %dma_start3A_735] : memref<4000000x32xf32, #tpu.memory_space<hbm>> -> memref<4000000x32xf32, #tpu.memory_space<hbm>>
        tpu.enqueue_indirect_dma source(%dma_start3A_736 : memref<4000000x32xf32, #tpu.memory_space<hbm>>) target(%dma_start3A_730 : memref<128x32xf32, #tpu.memory_space<vmem>>) offsets(%dma_start3A_733 : memref<128xi32, #tpu.memory_space<vmem>>) semaphore(%arg8 : memref<!tpu.dma_semaphore, #tpu.memory_space<semaphore_mem>>)
        %mul3A_737 = arith.constant 4 : i32
        %mul3A_738 = arith.muli %add3A_717, %mul3A_737 : i32
        %add3A_739 = arith.constant 1 : i32
        %add3A_740 = arith.addi %mul3A_738, %add3A_739 : i32
        %dma_start3A_741 = arith.constant 0 : i32
        %dma_start3A_742 = arith.constant 0 : i32
        %dma_start3A_743 = tpu.memref_slice %arg6[%sub3A_719, %dma_start3A_741, %dma_start3A_742] : memref<2x512x32xf32, #tpu.memory_space<vmem>> -> memref<1x512x32xf32, #tpu.memory_space<vmem>>
        %dma_start3A_744 = tpu.memref_squeeze %dma_start3A_743 : memref<1x512x32xf32, #tpu.memory_space<vmem>> -> memref<512x32xf32, #tpu.memory_space<vmem>>
        %dma_start3A_745 = arith.constant 128 : i32
        %dma_start3A_746 = arith.constant 0 : i32
        %dma_start3A_747 = tpu.memref_slice %dma_start3A_744[%dma_start3A_745, %dma_start3A_746] : memref<512x32xf32, #tpu.memory_space<vmem>> -> memref<128x32xf32, #tpu.memory_space<vmem>>
        %dma_start3A_748 = arith.constant 0 : i32
        %dma_start3A_749 = tpu.memref_slice %arg5[%add3A_740, %dma_start3A_748] : memref<200x128xi32, #tpu.memory_space<vmem>> -> memref<1x128xi32, #tpu.memory_space<vmem>>
        %dma_start3A_750 = tpu.memref_squeeze %dma_start3A_749 : memref<1x128xi32, #tpu.memory_space<vmem>> -> memref<128xi32, #tpu.memory_space<vmem>>
        %dma_start3A_751 = arith.constant 0 : i32
        %dma_start3A_752 = arith.constant 0 : i32
        %dma_start3A_753 = tpu.memref_slice %arg3[%dma_start3A_751, %dma_start3A_752] : memref<4000000x32xf32, #tpu.memory_space<hbm>> -> memref<4000000x32xf32, #tpu.memory_space<hbm>>
        tpu.enqueue_indirect_dma source(%dma_start3A_753 : memref<4000000x32xf32, #tpu.memory_space<hbm>>) target(%dma_start3A_747 : memref<128x32xf32, #tpu.memory_space<vmem>>) offsets(%dma_start3A_750 : memref<128xi32, #tpu.memory_space<vmem>>) semaphore(%arg8 : memref<!tpu.dma_semaphore, #tpu.memory_space<semaphore_mem>>)
        %mul3A_754 = arith.constant 4 : i32
        %mul3A_755 = arith.muli %add3A_717, %mul3A_754 : i32
        %add3A_756 = arith.constant 2 : i32
        %add3A_757 = arith.addi %mul3A_755, %add3A_756 : i32
        %dma_start3A_758 = arith.constant 0 : i32
        %dma_start3A_759 = arith.constant 0 : i32
        %dma_start3A_760 = tpu.memref_slice %arg6[%sub3A_719, %dma_start3A_758, %dma_start3A_759] : memref<2x512x32xf32, #tpu.memory_space<vmem>> -> memref<1x512x32xf32, #tpu.memory_space<vmem>>
        %dma_start3A_761 = tpu.memref_squeeze %dma_start3A_760 : memref<1x512x32xf32, #tpu.memory_space<vmem>> -> memref<512x32xf32, #tpu.memory_space<vmem>>
        %dma_start3A_762 = arith.constant 256 : i32
        %dma_start3A_763 = arith.constant 0 : i32
        %dma_start3A_764 = tpu.memref_slice %dma_start3A_761[%dma_start3A_762, %dma_start3A_763] : memref<512x32xf32, #tpu.memory_space<vmem>> -> memref<128x32xf32, #tpu.memory_space<vmem>>
        %dma_start3A_765 = arith.constant 0 : i32
        %dma_start3A_766 = tpu.memref_slice %arg5[%add3A_757, %dma_start3A_765] : memref<200x128xi32, #tpu.memory_space<vmem>> -> memref<1x128xi32, #tpu.memory_space<vmem>>
        %dma_start3A_767 = tpu.memref_squeeze %dma_start3A_766 : memref<1x128xi32, #tpu.memory_space<vmem>> -> memref<128xi32, #tpu.memory_space<vmem>>
        %dma_start3A_768 = arith.constant 0 : i32
        %dma_start3A_769 = arith.constant 0 : i32
        %dma_start3A_770 = tpu.memref_slice %arg3[%dma_start3A_768, %dma_start3A_769] : memref<4000000x32xf32, #tpu.memory_space<hbm>> -> memref<4000000x32xf32, #tpu.memory_space<hbm>>
        tpu.enqueue_indirect_dma source(%dma_start3A_770 : memref<4000000x32xf32, #tpu.memory_space<hbm>>) target(%dma_start3A_764 : memref<128x32xf32, #tpu.memory_space<vmem>>) offsets(%dma_start3A_767 : memref<128xi32, #tpu.memory_space<vmem>>) semaphore(%arg8 : memref<!tpu.dma_semaphore, #tpu.memory_space<semaphore_mem>>)
        %mul3A_771 = arith.constant 4 : i32
        %mul3A_772 = arith.muli %add3A_717, %mul3A_771 : i32
        %add3A_773 = arith.constant 3 : i32
        %add3A_774 = arith.addi %mul3A_772, %add3A_773 : i32
        %dma_start3A_775 = arith.constant 0 : i32
        %dma_start3A_776 = arith.constant 0 : i32
        %dma_start3A_777 = tpu.memref_slice %arg6[%sub3A_719, %dma_start3A_775, %dma_start3A_776] : memref<2x512x32xf32, #tpu.memory_space<vmem>> -> memref<1x512x32xf32, #tpu.memory_space<vmem>>
        %dma_start3A_778 = tpu.memref_squeeze %dma_start3A_777 : memref<1x512x32xf32, #tpu.memory_space<vmem>> -> memref<512x32xf32, #tpu.memory_space<vmem>>
        %dma_start3A_779 = arith.constant 384 : i32
        %dma_start3A_780 = arith.constant 0 : i32
        %dma_start3A_781 = tpu.memref_slice %dma_start3A_778[%dma_start3A_779, %dma_start3A_780] : memref<512x32xf32, #tpu.memory_space<vmem>> -> memref<128x32xf32, #tpu.memory_space<vmem>>
        %dma_start3A_782 = arith.constant 0 : i32
        %dma_start3A_783 = tpu.memref_slice %arg5[%add3A_774, %dma_start3A_782] : memref<200x128xi32, #tpu.memory_space<vmem>> -> memref<1x128xi32, #tpu.memory_space<vmem>>
        %dma_start3A_784 = tpu.memref_squeeze %dma_start3A_783 : memref<1x128xi32, #tpu.memory_space<vmem>> -> memref<128xi32, #tpu.memory_space<vmem>>
        %dma_start3A_785 = arith.constant 0 : i32
        %dma_start3A_786 = arith.constant 0 : i32
        %dma_start3A_787 = tpu.memref_slice %arg3[%dma_start3A_785, %dma_start3A_786] : memref<4000000x32xf32, #tpu.memory_space<hbm>> -> memref<4000000x32xf32, #tpu.memory_space<hbm>>
        tpu.enqueue_indirect_dma source(%dma_start3A_787 : memref<4000000x32xf32, #tpu.memory_space<hbm>>) target(%dma_start3A_781 : memref<128x32xf32, #tpu.memory_space<vmem>>) offsets(%dma_start3A_784 : memref<128xi32, #tpu.memory_space<vmem>>) semaphore(%arg8 : memref<!tpu.dma_semaphore, #tpu.memory_space<semaphore_mem>>)
      } else {
      }
      %ge3A = arith.constant 2 : i32
      %ge3A_533 = arith.cmpi sge, %scan3A_431, %ge3A : i32
      %convert_element_type3A_534 = arith.extui %ge3A_533 : i1 to i32
      %cond3A_535 = arith.constant 0 : i32
      %cond3A_536 = arith.cmpi ne, %convert_element_type3A_534, %cond3A_535 : i32
      scf.if %cond3A_536 {
        %dma_wait3A_716 = arith.constant 0 : i32
        %dma_wait3A_717 = arith.constant 0 : i32
        %dma_wait3A_718 = arith.constant 0 : i32
        %dma_wait3A_719 = arith.constant 0 : i32
        %dma_wait3A_720 = arith.constant 0 : i32
        %dma_wait3A_721 = arith.constant 0 : i32
        %dma_wait3A_722 = arith.constant 0 : i32
        %dma_wait3A_723 = tpu.memref_slice %arg7[%select_n3A_447, %dma_wait3A_719, %dma_wait3A_720, %dma_wait3A_721, %dma_wait3A_722] : memref<2x4x4x8x129xf32, #tpu.memory_space<vmem>> -> memref<1x4x4x8x129xf32, #tpu.memory_space<vmem>>
        %dma_wait3A_724 = tpu.memref_squeeze %dma_wait3A_723 : memref<1x4x4x8x129xf32, #tpu.memory_space<vmem>> -> memref<4x4x8x129xf32, #tpu.memory_space<vmem>>
        %dma_wait3A_725 = arith.constant 0 : i32
        %dma_wait3A_726 = arith.constant 0 : i32
        %dma_wait3A_727 = arith.constant 0 : i32
        %dma_wait3A_728 = tpu.memref_slice %dma_wait3A_724[%dma_wait3A_716, %dma_wait3A_725, %dma_wait3A_726, %dma_wait3A_727] : memref<4x4x8x129xf32, #tpu.memory_space<vmem>> -> memref<1x4x8x128xf32, #tpu.memory_space<vmem>>
        %dma_wait3A_729 = tpu.memref_squeeze %dma_wait3A_728 : memref<1x4x8x128xf32, #tpu.memory_space<vmem>> -> memref<4x8x128xf32, #tpu.memory_space<vmem>>
        %dma_wait3A_730 = arith.constant 0 : i32
        %dma_wait3A_731 = arith.constant 0 : i32
        %dma_wait3A_732 = arith.constant 0 : i32
        %dma_wait3A_733 = tpu.memref_slice %arg4[%dma_wait3A_717, %dma_wait3A_718, %dma_wait3A_730, %dma_wait3A_731, %dma_wait3A_732] : memref<50x4x128x8x128xf32, #tpu.memory_space<hbm>> -> memref<1x1x4x8x128xf32, #tpu.memory_space<hbm>>
        %dma_wait3A_734 = tpu.memref_squeeze %dma_wait3A_733 : memref<1x1x4x8x128xf32, #tpu.memory_space<hbm>> -> memref<4x8x128xf32, #tpu.memory_space<hbm>>
        %dma_wait3A_735 = arith.constant 0 : i32
        %dma_wait3A_736 = arith.constant 0 : i32
        %dma_wait3A_737 = arith.constant 0 : i32
        %dma_wait3A_738 = tpu.memref_slice %arg4[%dma_wait3A_717, %dma_wait3A_718, %dma_wait3A_735, %dma_wait3A_736, %dma_wait3A_737] : memref<50x4x128x8x128xf32, #tpu.memory_space<hbm>> -> memref<1x1x4x8x128xf32, #tpu.memory_space<hbm>>
        %dma_wait3A_739 = tpu.memref_squeeze %dma_wait3A_738 : memref<1x1x4x8x128xf32, #tpu.memory_space<hbm>> -> memref<4x8x128xf32, #tpu.memory_space<hbm>>
        %dma_wait3A_740 = arith.constant 0 : i32
        %dma_wait3A_741 = arith.constant 0 : i32
        %dma_wait3A_742 = arith.constant 0 : i32
        %dma_wait3A_743 = arith.constant 0 : i32
        %dma_wait3A_744 = tpu.memref_slice %arg7[%select_n3A_447, %dma_wait3A_740, %dma_wait3A_741, %dma_wait3A_742, %dma_wait3A_743] : memref<2x4x4x8x129xf32, #tpu.memory_space<vmem>> -> memref<1x4x4x8x129xf32, #tpu.memory_space<vmem>>
        %dma_wait3A_745 = tpu.memref_squeeze %dma_wait3A_744 : memref<1x4x4x8x129xf32, #tpu.memory_space<vmem>> -> memref<4x4x8x129xf32, #tpu.memory_space<vmem>>
        %dma_wait3A_746 = arith.constant 0 : i32
        %dma_wait3A_747 = arith.constant 0 : i32
        %dma_wait3A_748 = arith.constant 0 : i32
        %dma_wait3A_749 = tpu.memref_slice %dma_wait3A_745[%dma_wait3A_716, %dma_wait3A_746, %dma_wait3A_747, %dma_wait3A_748] : memref<4x4x8x129xf32, #tpu.memory_space<vmem>> -> memref<1x4x8x128xf32, #tpu.memory_space<vmem>>
        %dma_wait3A_750 = tpu.memref_squeeze %dma_wait3A_749 : memref<1x4x8x128xf32, #tpu.memory_space<vmem>> -> memref<4x8x128xf32, #tpu.memory_space<vmem>>
        tpu.wait_dma2 semaphore(%arg9 : memref<!tpu.dma_semaphore, #tpu.memory_space<semaphore_mem>>) src(%dma_wait3A_750 : memref<4x8x128xf32, #tpu.memory_space<vmem>>) dst(%dma_wait3A_739 : memref<4x8x128xf32, #tpu.memory_space<hbm>>)
        %dma_wait3A_751 = arith.constant 1 : i32
        %dma_wait3A_752 = arith.constant 0 : i32
        %dma_wait3A_753 = arith.constant 1 : i32
        %dma_wait3A_754 = arith.constant 0 : i32
        %dma_wait3A_755 = arith.constant 0 : i32
        %dma_wait3A_756 = arith.constant 0 : i32
        %dma_wait3A_757 = arith.constant 0 : i32
        %dma_wait3A_758 = tpu.memref_slice %arg7[%select_n3A_447, %dma_wait3A_754, %dma_wait3A_755, %dma_wait3A_756, %dma_wait3A_757] : memref<2x4x4x8x129xf32, #tpu.memory_space<vmem>> -> memref<1x4x4x8x129xf32, #tpu.memory_space<vmem>>
        %dma_wait3A_759 = tpu.memref_squeeze %dma_wait3A_758 : memref<1x4x4x8x129xf32, #tpu.memory_space<vmem>> -> memref<4x4x8x129xf32, #tpu.memory_space<vmem>>
        %dma_wait3A_760 = arith.constant 0 : i32
        %dma_wait3A_761 = arith.constant 0 : i32
        %dma_wait3A_762 = arith.constant 0 : i32
        %dma_wait3A_763 = tpu.memref_slice %dma_wait3A_759[%dma_wait3A_751, %dma_wait3A_760, %dma_wait3A_761, %dma_wait3A_762] : memref<4x4x8x129xf32, #tpu.memory_space<vmem>> -> memref<1x4x8x128xf32, #tpu.memory_space<vmem>>
        %dma_wait3A_764 = tpu.memref_squeeze %dma_wait3A_763 : memref<1x4x8x128xf32, #tpu.memory_space<vmem>> -> memref<4x8x128xf32, #tpu.memory_space<vmem>>
        %dma_wait3A_765 = arith.constant 0 : i32
        %dma_wait3A_766 = arith.constant 0 : i32
        %dma_wait3A_767 = arith.constant 0 : i32
        %dma_wait3A_768 = tpu.memref_slice %arg4[%dma_wait3A_752, %dma_wait3A_753, %dma_wait3A_765, %dma_wait3A_766, %dma_wait3A_767] : memref<50x4x128x8x128xf32, #tpu.memory_space<hbm>> -> memref<1x1x4x8x128xf32, #tpu.memory_space<hbm>>
        %dma_wait3A_769 = tpu.memref_squeeze %dma_wait3A_768 : memref<1x1x4x8x128xf32, #tpu.memory_space<hbm>> -> memref<4x8x128xf32, #tpu.memory_space<hbm>>
        %dma_wait3A_770 = arith.constant 0 : i32
        %dma_wait3A_771 = arith.constant 0 : i32
        %dma_wait3A_772 = arith.constant 0 : i32
        %dma_wait3A_773 = tpu.memref_slice %arg4[%dma_wait3A_752, %dma_wait3A_753, %dma_wait3A_770, %dma_wait3A_771, %dma_wait3A_772] : memref<50x4x128x8x128xf32, #tpu.memory_space<hbm>> -> memref<1x1x4x8x128xf32, #tpu.memory_space<hbm>>
        %dma_wait3A_774 = tpu.memref_squeeze %dma_wait3A_773 : memref<1x1x4x8x128xf32, #tpu.memory_space<hbm>> -> memref<4x8x128xf32, #tpu.memory_space<hbm>>
        %dma_wait3A_775 = arith.constant 0 : i32
        %dma_wait3A_776 = arith.constant 0 : i32
        %dma_wait3A_777 = arith.constant 0 : i32
        %dma_wait3A_778 = arith.constant 0 : i32
        %dma_wait3A_779 = tpu.memref_slice %arg7[%select_n3A_447, %dma_wait3A_775, %dma_wait3A_776, %dma_wait3A_777, %dma_wait3A_778] : memref<2x4x4x8x129xf32, #tpu.memory_space<vmem>> -> memref<1x4x4x8x129xf32, #tpu.memory_space<vmem>>
        %dma_wait3A_780 = tpu.memref_squeeze %dma_wait3A_779 : memref<1x4x4x8x129xf32, #tpu.memory_space<vmem>> -> memref<4x4x8x129xf32, #tpu.memory_space<vmem>>
        %dma_wait3A_781 = arith.constant 0 : i32
        %dma_wait3A_782 = arith.constant 0 : i32
        %dma_wait3A_783 = arith.constant 0 : i32
        %dma_wait3A_784 = tpu.memref_slice %dma_wait3A_780[%dma_wait3A_751, %dma_wait3A_781, %dma_wait3A_782, %dma_wait3A_783] : memref<4x4x8x129xf32, #tpu.memory_space<vmem>> -> memref<1x4x8x128xf32, #tpu.memory_space<vmem>>
        %dma_wait3A_785 = tpu.memref_squeeze %dma_wait3A_784 : memref<1x4x8x128xf32, #tpu.memory_space<vmem>> -> memref<4x8x128xf32, #tpu.memory_space<vmem>>
        tpu.wait_dma2 semaphore(%arg9 : memref<!tpu.dma_semaphore, #tpu.memory_space<semaphore_mem>>) src(%dma_wait3A_785 : memref<4x8x128xf32, #tpu.memory_space<vmem>>) dst(%dma_wait3A_774 : memref<4x8x128xf32, #tpu.memory_space<hbm>>)
        %dma_wait3A_786 = arith.constant 2 : i32
        %dma_wait3A_787 = arith.constant 0 : i32
        %dma_wait3A_788 = arith.constant 2 : i32
        %dma_wait3A_789 = arith.constant 0 : i32
        %dma_wait3A_790 = arith.constant 0 : i32
        %dma_wait3A_791 = arith.constant 0 : i32
        %dma_wait3A_792 = arith.constant 0 : i32
        %dma_wait3A_793 = tpu.memref_slice %arg7[%select_n3A_447, %dma_wait3A_789, %dma_wait3A_790, %dma_wait3A_791, %dma_wait3A_792] : memref<2x4x4x8x129xf32, #tpu.memory_space<vmem>> -> memref<1x4x4x8x129xf32, #tpu.memory_space<vmem>>
        %dma_wait3A_794 = tpu.memref_squeeze %dma_wait3A_793 : memref<1x4x4x8x129xf32, #tpu.memory_space<vmem>> -> memref<4x4x8x129xf32, #tpu.memory_space<vmem>>
        %dma_wait3A_795 = arith.constant 0 : i32
        %dma_wait3A_796 = arith.constant 0 : i32
        %dma_wait3A_797 = arith.constant 0 : i32
        %dma_wait3A_798 = tpu.memref_slice %dma_wait3A_794[%dma_wait3A_786, %dma_wait3A_795, %dma_wait3A_796, %dma_wait3A_797] : memref<4x4x8x129xf32, #tpu.memory_space<vmem>> -> memref<1x4x8x128xf32, #tpu.memory_space<vmem>>
        %dma_wait3A_799 = tpu.memref_squeeze %dma_wait3A_798 : memref<1x4x8x128xf32, #tpu.memory_space<vmem>> -> memref<4x8x128xf32, #tpu.memory_space<vmem>>
        %dma_wait3A_800 = arith.constant 0 : i32
        %dma_wait3A_801 = arith.constant 0 : i32
        %dma_wait3A_802 = arith.constant 0 : i32
        %dma_wait3A_803 = tpu.memref_slice %arg4[%dma_wait3A_787, %dma_wait3A_788, %dma_wait3A_800, %dma_wait3A_801, %dma_wait3A_802] : memref<50x4x128x8x128xf32, #tpu.memory_space<hbm>> -> memref<1x1x4x8x128xf32, #tpu.memory_space<hbm>>
        %dma_wait3A_804 = tpu.memref_squeeze %dma_wait3A_803 : memref<1x1x4x8x128xf32, #tpu.memory_space<hbm>> -> memref<4x8x128xf32, #tpu.memory_space<hbm>>
        %dma_wait3A_805 = arith.constant 0 : i32
        %dma_wait3A_806 = arith.constant 0 : i32
        %dma_wait3A_807 = arith.constant 0 : i32
        %dma_wait3A_808 = tpu.memref_slice %arg4[%dma_wait3A_787, %dma_wait3A_788, %dma_wait3A_805, %dma_wait3A_806, %dma_wait3A_807] : memref<50x4x128x8x128xf32, #tpu.memory_space<hbm>> -> memref<1x1x4x8x128xf32, #tpu.memory_space<hbm>>
        %dma_wait3A_809 = tpu.memref_squeeze %dma_wait3A_808 : memref<1x1x4x8x128xf32, #tpu.memory_space<hbm>> -> memref<4x8x128xf32, #tpu.memory_space<hbm>>
        %dma_wait3A_810 = arith.constant 0 : i32
        %dma_wait3A_811 = arith.constant 0 : i32
        %dma_wait3A_812 = arith.constant 0 : i32
        %dma_wait3A_813 = arith.constant 0 : i32
        %dma_wait3A_814 = tpu.memref_slice %arg7[%select_n3A_447, %dma_wait3A_810, %dma_wait3A_811, %dma_wait3A_812, %dma_wait3A_813] : memref<2x4x4x8x129xf32, #tpu.memory_space<vmem>> -> memref<1x4x4x8x129xf32, #tpu.memory_space<vmem>>
        %dma_wait3A_815 = tpu.memref_squeeze %dma_wait3A_814 : memref<1x4x4x8x129xf32, #tpu.memory_space<vmem>> -> memref<4x4x8x129xf32, #tpu.memory_space<vmem>>
        %dma_wait3A_816 = arith.constant 0 : i32
        %dma_wait3A_817 = arith.constant 0 : i32
        %dma_wait3A_818 = arith.constant 0 : i32
        %dma_wait3A_819 = tpu.memref_slice %dma_wait3A_815[%dma_wait3A_786, %dma_wait3A_816, %dma_wait3A_817, %dma_wait3A_818] : memref<4x4x8x129xf32, #tpu.memory_space<vmem>> -> memref<1x4x8x128xf32, #tpu.memory_space<vmem>>
        %dma_wait3A_820 = tpu.memref_squeeze %dma_wait3A_819 : memref<1x4x8x128xf32, #tpu.memory_space<vmem>> -> memref<4x8x128xf32, #tpu.memory_space<vmem>>
        tpu.wait_dma2 semaphore(%arg9 : memref<!tpu.dma_semaphore, #tpu.memory_space<semaphore_mem>>) src(%dma_wait3A_820 : memref<4x8x128xf32, #tpu.memory_space<vmem>>) dst(%dma_wait3A_809 : memref<4x8x128xf32, #tpu.memory_space<hbm>>)
        %dma_wait3A_821 = arith.constant 3 : i32
        %dma_wait3A_822 = arith.constant 0 : i32
        %dma_wait3A_823 = arith.constant 3 : i32
        %dma_wait3A_824 = arith.constant 0 : i32
        %dma_wait3A_825 = arith.constant 0 : i32
        %dma_wait3A_826 = arith.constant 0 : i32
        %dma_wait3A_827 = arith.constant 0 : i32
        %dma_wait3A_828 = tpu.memref_slice %arg7[%select_n3A_447, %dma_wait3A_824, %dma_wait3A_825, %dma_wait3A_826, %dma_wait3A_827] : memref<2x4x4x8x129xf32, #tpu.memory_space<vmem>> -> memref<1x4x4x8x129xf32, #tpu.memory_space<vmem>>
        %dma_wait3A_829 = tpu.memref_squeeze %dma_wait3A_828 : memref<1x4x4x8x129xf32, #tpu.memory_space<vmem>> -> memref<4x4x8x129xf32, #tpu.memory_space<vmem>>
        %dma_wait3A_830 = arith.constant 0 : i32
        %dma_wait3A_831 = arith.constant 0 : i32
        %dma_wait3A_832 = arith.constant 0 : i32
        %dma_wait3A_833 = tpu.memref_slice %dma_wait3A_829[%dma_wait3A_821, %dma_wait3A_830, %dma_wait3A_831, %dma_wait3A_832] : memref<4x4x8x129xf32, #tpu.memory_space<vmem>> -> memref<1x4x8x128xf32, #tpu.memory_space<vmem>>
        %dma_wait3A_834 = tpu.memref_squeeze %dma_wait3A_833 : memref<1x4x8x128xf32, #tpu.memory_space<vmem>> -> memref<4x8x128xf32, #tpu.memory_space<vmem>>
        %dma_wait3A_835 = arith.constant 0 : i32
        %dma_wait3A_836 = arith.constant 0 : i32
        %dma_wait3A_837 = arith.constant 0 : i32
        %dma_wait3A_838 = tpu.memref_slice %arg4[%dma_wait3A_822, %dma_wait3A_823, %dma_wait3A_835, %dma_wait3A_836, %dma_wait3A_837] : memref<50x4x128x8x128xf32, #tpu.memory_space<hbm>> -> memref<1x1x4x8x128xf32, #tpu.memory_space<hbm>>
        %dma_wait3A_839 = tpu.memref_squeeze %dma_wait3A_838 : memref<1x1x4x8x128xf32, #tpu.memory_space<hbm>> -> memref<4x8x128xf32, #tpu.memory_space<hbm>>
        %dma_wait3A_840 = arith.constant 0 : i32
        %dma_wait3A_841 = arith.constant 0 : i32
        %dma_wait3A_842 = arith.constant 0 : i32
        %dma_wait3A_843 = tpu.memref_slice %arg4[%dma_wait3A_822, %dma_wait3A_823, %dma_wait3A_840, %dma_wait3A_841, %dma_wait3A_842] : memref<50x4x128x8x128xf32, #tpu.memory_space<hbm>> -> memref<1x1x4x8x128xf32, #tpu.memory_space<hbm>>
        %dma_wait3A_844 = tpu.memref_squeeze %dma_wait3A_843 : memref<1x1x4x8x128xf32, #tpu.memory_space<hbm>> -> memref<4x8x128xf32, #tpu.memory_space<hbm>>
        %dma_wait3A_845 = arith.constant 0 : i32
        %dma_wait3A_846 = arith.constant 0 : i32
        %dma_wait3A_847 = arith.constant 0 : i32
        %dma_wait3A_848 = arith.constant 0 : i32
        %dma_wait3A_849 = tpu.memref_slice %arg7[%select_n3A_447, %dma_wait3A_845, %dma_wait3A_846, %dma_wait3A_847, %dma_wait3A_848] : memref<2x4x4x8x129xf32, #tpu.memory_space<vmem>> -> memref<1x4x4x8x129xf32, #tpu.memory_space<vmem>>
        %dma_wait3A_850 = tpu.memref_squeeze %dma_wait3A_849 : memref<1x4x4x8x129xf32, #tpu.memory_space<vmem>> -> memref<4x4x8x129xf32, #tpu.memory_space<vmem>>
        %dma_wait3A_851 = arith.constant 0 : i32
        %dma_wait3A_852 = arith.constant 0 : i32
        %dma_wait3A_853 = arith.constant 0 : i32
        %dma_wait3A_854 = tpu.memref_slice %dma_wait3A_850[%dma_wait3A_821, %dma_wait3A_851, %dma_wait3A_852, %dma_wait3A_853] : memref<4x4x8x129xf32, #tpu.memory_space<vmem>> -> memref<1x4x8x128xf32, #tpu.memory_space<vmem>>
        %dma_wait3A_855 = tpu.memref_squeeze %dma_wait3A_854 : memref<1x4x8x128xf32, #tpu.memory_space<vmem>> -> memref<4x8x128xf32, #tpu.memory_space<vmem>>
        tpu.wait_dma2 semaphore(%arg9 : memref<!tpu.dma_semaphore, #tpu.memory_space<semaphore_mem>>) src(%dma_wait3A_855 : memref<4x8x128xf32, #tpu.memory_space<vmem>>) dst(%dma_wait3A_844 : memref<4x8x128xf32, #tpu.memory_space<hbm>>)
      } else {
      }
      %scan3A_537 = arith.constant 0 : i32
      %scan3A_538 = arith.constant 0 : i32
      %scan3A_539 = arith.constant 4 : i32
      %scan3A_540 = arith.addi %scan3A_538, %scan3A_539 : i32
      %scan3A_541 = arith.constant 1 : i32
      scf.for %scan3A_716 = %scan3A_538 to %scan3A_540 step %scan3A_541  : i32 {
        %broadcast_in_dim3A = vector.broadcast %scan3A_716 : i32 to vector<16xi32>
        %scan3A_717 = arith.constant 0 : i32
        %scan3A_718 = arith.constant 32 : i32
        %scan3A_719 = arith.addi %scan3A_717, %scan3A_718 : i32
        %scan3A_720 = arith.constant 1 : i32
        scf.for %scan3A_722 = %scan3A_717 to %scan3A_719 step %scan3A_720  : i32 {
          %mul3A_723 = arith.constant 4 : i32
          %mul3A_724 = arith.muli %scan3A_722, %mul3A_723 : i32
          %add3A_725 = arith.constant 0 : i32
          %add3A_726 = arith.addi %mul3A_724, %add3A_725 : i32
          %mul3A_727 = arith.constant 128 : i32
          %mul3A_728 = arith.muli %scan3A_716, %mul3A_727 : i32
          %add3A_729 = arith.addi %mul3A_728, %add3A_726 : i32
          %broadcast_in_dim3A_730 = vector.broadcast %add3A_726 : i32 to vector<16xi32>
          %get3A = arith.index_cast %select_n3A_447 : i32 to index
          %get3A_731 = arith.index_cast %add3A_729 : i32 to index
          %get3A_732 = arith.constant 0 : index
          %get3A_733 = tpu.vector_load %arg6[%get3A, %get3A_731, %get3A_732] {strides = array<i32>} : memref<2x512x32xf32, #tpu.memory_space<vmem>>, vector<16xf32>,
          %get3A_734 = arith.index_cast %select_n3A_447 : i32 to index
          %get3A_735 = arith.index_cast %add3A_729 : i32 to index
          %get3A_736 = arith.constant 16 : index
          %get3A_737 = tpu.vector_load %arg6[%get3A_734, %get3A_735, %get3A_736] {strides = array<i32>} : memref<2x512x32xf32, #tpu.memory_space<vmem>>, vector<16xf32>,
          %scatter3A = arith.constant 0 : i32
          %scatter3A_738 = arith.constant 0 : i32
          %scatter3A_739 = arith.constant 0 : i32
          %scatter3A_740 = arith.constant 0 : i32
          %scatter3A_741 = tpu.memref_slice %arg7[%select_n3A_447, %scatter3A, %scatter3A_738, %scatter3A_739, %scatter3A_740] : memref<2x4x4x8x129xf32, #tpu.memory_space<vmem>> -> memref<1x4x4x8x129xf32, #tpu.memory_space<vmem>>
          %scatter3A_742 = tpu.memref_squeeze %scatter3A_741 : memref<1x4x4x8x129xf32, #tpu.memory_space<vmem>> -> memref<4x4x8x129xf32, #tpu.memory_space<vmem>>
          tpu.vector_store_idx %scatter3A_742[%select_n3A, %broadcast_in_dim3A, %select_n3A_79, %broadcast_in_dim3A_730], %get3A_733 : memref<4x4x8x129xf32, #tpu.memory_space<vmem>>[vector<16xi32>, vector<16xi32>, vector<16xi32>, vector<16xi32>], vector<16xf32>,
          %scatter3A_743 = arith.constant 0 : i32
          %scatter3A_744 = arith.constant 0 : i32
          %scatter3A_745 = arith.constant 0 : i32
          %scatter3A_746 = arith.constant 0 : i32
          %scatter3A_747 = tpu.memref_slice %arg7[%select_n3A_447, %scatter3A_743, %scatter3A_744, %scatter3A_745, %scatter3A_746] : memref<2x4x4x8x129xf32, #tpu.memory_space<vmem>> -> memref<1x4x4x8x129xf32, #tpu.memory_space<vmem>>
          %scatter3A_748 = tpu.memref_squeeze %scatter3A_747 : memref<1x4x4x8x129xf32, #tpu.memory_space<vmem>> -> memref<4x4x8x129xf32, #tpu.memory_space<vmem>>
          tpu.vector_store_idx %scatter3A_748[%select_n3A_59, %broadcast_in_dim3A, %select_n3A_79, %broadcast_in_dim3A_730], %get3A_737 : memref<4x4x8x129xf32, #tpu.memory_space<vmem>>[vector<16xi32>, vector<16xi32>, vector<16xi32>, vector<16xi32>], vector<16xf32>,
          %mul3A_749 = arith.constant 4 : i32
          %mul3A_750 = arith.muli %scan3A_722, %mul3A_749 : i32
          %add3A_751 = arith.constant 1 : i32
          %add3A_752 = arith.addi %mul3A_750, %add3A_751 : i32
          %mul3A_753 = arith.constant 128 : i32
          %mul3A_754 = arith.muli %scan3A_716, %mul3A_753 : i32
          %add3A_755 = arith.addi %mul3A_754, %add3A_752 : i32
          %broadcast_in_dim3A_756 = vector.broadcast %add3A_752 : i32 to vector<16xi32>
          %get3A_757 = arith.index_cast %select_n3A_447 : i32 to index
          %get3A_758 = arith.index_cast %add3A_755 : i32 to index
          %get3A_759 = arith.constant 0 : index
          %get3A_760 = tpu.vector_load %arg6[%get3A_757, %get3A_758, %get3A_759] {strides = array<i32>} : memref<2x512x32xf32, #tpu.memory_space<vmem>>, vector<16xf32>,
          %get3A_761 = arith.index_cast %select_n3A_447 : i32 to index
          %get3A_762 = arith.index_cast %add3A_755 : i32 to index
          %get3A_763 = arith.constant 16 : index
          %get3A_764 = tpu.vector_load %arg6[%get3A_761, %get3A_762, %get3A_763] {strides = array<i32>} : memref<2x512x32xf32, #tpu.memory_space<vmem>>, vector<16xf32>,
          %scatter3A_765 = arith.constant 0 : i32
          %scatter3A_766 = arith.constant 0 : i32
          %scatter3A_767 = arith.constant 0 : i32
          %scatter3A_768 = arith.constant 0 : i32
          %scatter3A_769 = tpu.memref_slice %arg7[%select_n3A_447, %scatter3A_765, %scatter3A_766, %scatter3A_767, %scatter3A_768] : memref<2x4x4x8x129xf32, #tpu.memory_space<vmem>> -> memref<1x4x4x8x129xf32, #tpu.memory_space<vmem>>
          %scatter3A_770 = tpu.memref_squeeze %scatter3A_769 : memref<1x4x4x8x129xf32, #tpu.memory_space<vmem>> -> memref<4x4x8x129xf32, #tpu.memory_space<vmem>>
          tpu.vector_store_idx %scatter3A_770[%select_n3A, %broadcast_in_dim3A, %select_n3A_79, %broadcast_in_dim3A_756], %get3A_760 : memref<4x4x8x129xf32, #tpu.memory_space<vmem>>[vector<16xi32>, vector<16xi32>, vector<16xi32>, vector<16xi32>], vector<16xf32>,
          %scatter3A_771 = arith.constant 0 : i32
          %scatter3A_772 = arith.constant 0 : i32
          %scatter3A_773 = arith.constant 0 : i32
          %scatter3A_774 = arith.constant 0 : i32
          %scatter3A_775 = tpu.memref_slice %arg7[%select_n3A_447, %scatter3A_771, %scatter3A_772, %scatter3A_773, %scatter3A_774] : memref<2x4x4x8x129xf32, #tpu.memory_space<vmem>> -> memref<1x4x4x8x129xf32, #tpu.memory_space<vmem>>
          %scatter3A_776 = tpu.memref_squeeze %scatter3A_775 : memref<1x4x4x8x129xf32, #tpu.memory_space<vmem>> -> memref<4x4x8x129xf32, #tpu.memory_space<vmem>>
          tpu.vector_store_idx %scatter3A_776[%select_n3A_59, %broadcast_in_dim3A, %select_n3A_79, %broadcast_in_dim3A_756], %get3A_764 : memref<4x4x8x129xf32, #tpu.memory_space<vmem>>[vector<16xi32>, vector<16xi32>, vector<16xi32>, vector<16xi32>], vector<16xf32>,
          %mul3A_777 = arith.constant 4 : i32
          %mul3A_778 = arith.muli %scan3A_722, %mul3A_777 : i32
          %add3A_779 = arith.constant 2 : i32
          %add3A_780 = arith.addi %mul3A_778, %add3A_779 : i32
          %mul3A_781 = arith.constant 128 : i32
          %mul3A_782 = arith.muli %scan3A_716, %mul3A_781 : i32
          %add3A_783 = arith.addi %mul3A_782, %add3A_780 : i32
          %broadcast_in_dim3A_784 = vector.broadcast %add3A_780 : i32 to vector<16xi32>
          %get3A_785 = arith.index_cast %select_n3A_447 : i32 to index
          %get3A_786 = arith.index_cast %add3A_783 : i32 to index
          %get3A_787 = arith.constant 0 : index
          %get3A_788 = tpu.vector_load %arg6[%get3A_785, %get3A_786, %get3A_787] {strides = array<i32>} : memref<2x512x32xf32, #tpu.memory_space<vmem>>, vector<16xf32>,
          %get3A_789 = arith.index_cast %select_n3A_447 : i32 to index
          %get3A_790 = arith.index_cast %add3A_783 : i32 to index
          %get3A_791 = arith.constant 16 : index
          %get3A_792 = tpu.vector_load %arg6[%get3A_789, %get3A_790, %get3A_791] {strides = array<i32>} : memref<2x512x32xf32, #tpu.memory_space<vmem>>, vector<16xf32>,
          %scatter3A_793 = arith.constant 0 : i32
          %scatter3A_794 = arith.constant 0 : i32
          %scatter3A_795 = arith.constant 0 : i32
          %scatter3A_796 = arith.constant 0 : i32
          %scatter3A_797 = tpu.memref_slice %arg7[%select_n3A_447, %scatter3A_793, %scatter3A_794, %scatter3A_795, %scatter3A_796] : memref<2x4x4x8x129xf32, #tpu.memory_space<vmem>> -> memref<1x4x4x8x129xf32, #tpu.memory_space<vmem>>
          %scatter3A_798 = tpu.memref_squeeze %scatter3A_797 : memref<1x4x4x8x129xf32, #tpu.memory_space<vmem>> -> memref<4x4x8x129xf32, #tpu.memory_space<vmem>>
          tpu.vector_store_idx %scatter3A_798[%select_n3A, %broadcast_in_dim3A, %select_n3A_79, %broadcast_in_dim3A_784], %get3A_788 : memref<4x4x8x129xf32, #tpu.memory_space<vmem>>[vector<16xi32>, vector<16xi32>, vector<16xi32>, vector<16xi32>], vector<16xf32>,
          %scatter3A_799 = arith.constant 0 : i32
          %scatter3A_800 = arith.constant 0 : i32
          %scatter3A_801 = arith.constant 0 : i32
          %scatter3A_802 = arith.constant 0 : i32
          %scatter3A_803 = tpu.memref_slice %arg7[%select_n3A_447, %scatter3A_799, %scatter3A_800, %scatter3A_801, %scatter3A_802] : memref<2x4x4x8x129xf32, #tpu.memory_space<vmem>> -> memref<1x4x4x8x129xf32, #tpu.memory_space<vmem>>
          %scatter3A_804 = tpu.memref_squeeze %scatter3A_803 : memref<1x4x4x8x129xf32, #tpu.memory_space<vmem>> -> memref<4x4x8x129xf32, #tpu.memory_space<vmem>>
          tpu.vector_store_idx %scatter3A_804[%select_n3A_59, %broadcast_in_dim3A, %select_n3A_79, %broadcast_in_dim3A_784], %get3A_792 : memref<4x4x8x129xf32, #tpu.memory_space<vmem>>[vector<16xi32>, vector<16xi32>, vector<16xi32>, vector<16xi32>], vector<16xf32>,
          %mul3A_805 = arith.constant 4 : i32
          %mul3A_806 = arith.muli %scan3A_722, %mul3A_805 : i32
          %add3A_807 = arith.constant 3 : i32
          %add3A_808 = arith.addi %mul3A_806, %add3A_807 : i32
          %mul3A_809 = arith.constant 128 : i32
          %mul3A_810 = arith.muli %scan3A_716, %mul3A_809 : i32
          %add3A_811 = arith.addi %mul3A_810, %add3A_808 : i32
          %broadcast_in_dim3A_812 = vector.broadcast %add3A_808 : i32 to vector<16xi32>
          %get3A_813 = arith.index_cast %select_n3A_447 : i32 to index
          %get3A_814 = arith.index_cast %add3A_811 : i32 to index
          %get3A_815 = arith.constant 0 : index
          %get3A_816 = tpu.vector_load %arg6[%get3A_813, %get3A_814, %get3A_815] {strides = array<i32>} : memref<2x512x32xf32, #tpu.memory_space<vmem>>, vector<16xf32>,
          %get3A_817 = arith.index_cast %select_n3A_447 : i32 to index
          %get3A_818 = arith.index_cast %add3A_811 : i32 to index
          %get3A_819 = arith.constant 16 : index
          %get3A_820 = tpu.vector_load %arg6[%get3A_817, %get3A_818, %get3A_819] {strides = array<i32>} : memref<2x512x32xf32, #tpu.memory_space<vmem>>, vector<16xf32>,
          %scatter3A_821 = arith.constant 0 : i32
          %scatter3A_822 = arith.constant 0 : i32
          %scatter3A_823 = arith.constant 0 : i32
          %scatter3A_824 = arith.constant 0 : i32
          %scatter3A_825 = tpu.memref_slice %arg7[%select_n3A_447, %scatter3A_821, %scatter3A_822, %scatter3A_823, %scatter3A_824] : memref<2x4x4x8x129xf32, #tpu.memory_space<vmem>> -> memref<1x4x4x8x129xf32, #tpu.memory_space<vmem>>
          %scatter3A_826 = tpu.memref_squeeze %scatter3A_825 : memref<1x4x4x8x129xf32, #tpu.memory_space<vmem>> -> memref<4x4x8x129xf32, #tpu.memory_space<vmem>>
          tpu.vector_store_idx %scatter3A_826[%select_n3A, %broadcast_in_dim3A, %select_n3A_79, %broadcast_in_dim3A_812], %get3A_816 : memref<4x4x8x129xf32, #tpu.memory_space<vmem>>[vector<16xi32>, vector<16xi32>, vector<16xi32>, vector<16xi32>], vector<16xf32>,
          %scatter3A_827 = arith.constant 0 : i32
          %scatter3A_828 = arith.constant 0 : i32
          %scatter3A_829 = arith.constant 0 : i32
          %scatter3A_830 = arith.constant 0 : i32
          %scatter3A_831 = tpu.memref_slice %arg7[%select_n3A_447, %scatter3A_827, %scatter3A_828, %scatter3A_829, %scatter3A_830] : memref<2x4x4x8x129xf32, #tpu.memory_space<vmem>> -> memref<1x4x4x8x129xf32, #tpu.memory_space<vmem>>
          %scatter3A_832 = tpu.memref_squeeze %scatter3A_831 : memref<1x4x4x8x129xf32, #tpu.memory_space<vmem>> -> memref<4x4x8x129xf32, #tpu.memory_space<vmem>>
          tpu.vector_store_idx %scatter3A_832[%select_n3A_59, %broadcast_in_dim3A, %select_n3A_79, %broadcast_in_dim3A_812], %get3A_820 : memref<4x4x8x129xf32, #tpu.memory_space<vmem>>[vector<16xi32>, vector<16xi32>, vector<16xi32>, vector<16xi32>], vector<16xf32>,
        }
        %scan3A_721 = arith.constant 32 : i32
      }
      %scan3A_542 = arith.constant 4 : i32
      %mul3A_543 = arith.constant 200 : i32
      %mul3A_544 = arith.muli %add3A, %mul3A_543 : i32
      %mul3A_545 = arith.constant 4 : i32
      %mul3A_546 = arith.muli %scan3A_431, %mul3A_545 : i32
      %add3A_547 = arith.addi %mul3A_544, %mul3A_546 : i32
      %jit3A_548 = arith.constant 128 : i32
      %div3A_549 = arith.divsi %add3A_547, %jit3A_548 : i32
      %sign3A_550 = arith.constant 0 : i32
      %sign3A_551 = arith.cmpi sgt, %add3A_547, %sign3A_550 : i32
      %sign3A_552 = arith.extui %sign3A_551 : i1 to i32
      %sign3A_553 = arith.constant 0 : i32
      %sign3A_554 = arith.cmpi slt, %add3A_547, %sign3A_553 : i32
      %sign3A_555 = arith.extui %sign3A_554 : i1 to i32
      %sign3A_556 = arith.subi %sign3A_552, %sign3A_555 : i32
      %sign3A_557 = arith.constant 0 : i32
      %sign3A_558 = arith.cmpi sgt, %jit3A_548, %sign3A_557 : i32
      %sign3A_559 = arith.extui %sign3A_558 : i1 to i32
      %sign3A_560 = arith.constant 0 : i32
      %sign3A_561 = arith.cmpi slt, %jit3A_548, %sign3A_560 : i32
      %sign3A_562 = arith.extui %sign3A_561 : i1 to i32
      %sign3A_563 = arith.subi %sign3A_559, %sign3A_562 : i32
      %ne3A_564 = arith.cmpi ne, %sign3A_556, %sign3A_563 : i32
      %rem3A_565 = arith.remsi %add3A_547, %jit3A_548 : i32
      %ne3A_566 = arith.constant 0 : i32
      %ne3A_567 = arith.cmpi ne, %rem3A_565, %ne3A_566 : i32
      %and3A_568 = arith.andi %ne3A_564, %ne3A_567 : i1
      %sub3A_569 = arith.constant 1 : i32
      %sub3A_570 = arith.subi %div3A_549, %sub3A_569 : i32
      %select_n3A_571 = arith.select %and3A_568, %sub3A_570, %div3A_549 : i32
      %jit3A_572 = arith.constant 128 : i32
      %eq3A_573 = arith.constant 0 : i32
      %eq3A_574 = arith.cmpi eq, %jit3A_572, %eq3A_573 : i32
      %jit3A_575 = arith.constant 1 : i32
      %select_n3A_576 = arith.select %eq3A_574, %jit3A_575, %jit3A_572 : i32
      %rem3A_577 = arith.remsi %add3A_547, %select_n3A_576 : i32
      %ne3A_578 = arith.constant 0 : i32
      %ne3A_579 = arith.cmpi ne, %rem3A_577, %ne3A_578 : i32
      %lt3A_580 = arith.constant 0 : i32
      %lt3A_581 = arith.cmpi slt, %rem3A_577, %lt3A_580 : i32
      %lt3A_582 = arith.constant 0 : i32
      %lt3A_583 = arith.cmpi slt, %select_n3A_576, %lt3A_582 : i32
      %ne3A_584 = arith.xori %lt3A_581, %lt3A_583 : i1
      %and3A_585 = arith.andi %ne3A_584, %ne3A_579 : i1
      %add3A_586 = arith.addi %rem3A_577, %select_n3A_576 : i32
      %select_n3A_587 = arith.select %and3A_585, %add3A_586, %rem3A_577 : i32
      %dma_start3A_588 = arith.constant 0 : i32
      %dma_start3A_589 = arith.constant 0 : i32
      %dma_start3A_590 = arith.constant 0 : i32
      %dma_start3A_591 = arith.constant 0 : i32
      %dma_start3A_592 = arith.constant 0 : i32
      %dma_start3A_593 = arith.constant 0 : i32
      %dma_start3A_594 = tpu.memref_slice %arg7[%select_n3A_447, %dma_start3A_590, %dma_start3A_591, %dma_start3A_592, %dma_start3A_593] : memref<2x4x4x8x129xf32, #tpu.memory_space<vmem>> -> memref<1x4x4x8x129xf32, #tpu.memory_space<vmem>>
      %dma_start3A_595 = tpu.memref_squeeze %dma_start3A_594 : memref<1x4x4x8x129xf32, #tpu.memory_space<vmem>> -> memref<4x4x8x129xf32, #tpu.memory_space<vmem>>
      %dma_start3A_596 = arith.constant 0 : i32
      %dma_start3A_597 = arith.constant 0 : i32
      %dma_start3A_598 = arith.constant 0 : i32
      %dma_start3A_599 = tpu.memref_slice %dma_start3A_595[%dma_start3A_588, %dma_start3A_596, %dma_start3A_597, %dma_start3A_598] : memref<4x4x8x129xf32, #tpu.memory_space<vmem>> -> memref<1x4x8x128xf32, #tpu.memory_space<vmem>>
      %dma_start3A_600 = tpu.memref_squeeze %dma_start3A_599 : memref<1x4x8x128xf32, #tpu.memory_space<vmem>> -> memref<4x8x128xf32, #tpu.memory_space<vmem>>
      %dma_start3A_601 = arith.constant 0 : i32
      %dma_start3A_602 = arith.constant 0 : i32
      %dma_start3A_603 = tpu.memref_slice %arg4[%select_n3A_571, %dma_start3A_589, %select_n3A_587, %dma_start3A_601, %dma_start3A_602] : memref<50x4x128x8x128xf32, #tpu.memory_space<hbm>> -> memref<1x1x4x8x128xf32, #tpu.memory_space<hbm>>
      %dma_start3A_604 = tpu.memref_squeeze %dma_start3A_603 : memref<1x1x4x8x128xf32, #tpu.memory_space<hbm>> -> memref<4x8x128xf32, #tpu.memory_space<hbm>>
      %dma_start3A_605 = arith.constant 0 : i32
      %dma_start3A_606 = arith.constant 0 : i32
      %dma_start3A_607 = tpu.memref_slice %arg4[%select_n3A_571, %dma_start3A_589, %select_n3A_587, %dma_start3A_605, %dma_start3A_606] : memref<50x4x128x8x128xf32, #tpu.memory_space<hbm>> -> memref<1x1x4x8x128xf32, #tpu.memory_space<hbm>>
      %dma_start3A_608 = tpu.memref_squeeze %dma_start3A_607 : memref<1x1x4x8x128xf32, #tpu.memory_space<hbm>> -> memref<4x8x128xf32, #tpu.memory_space<hbm>>
      %dma_start3A_609 = arith.constant 0 : i32
      %dma_start3A_610 = arith.constant 0 : i32
      %dma_start3A_611 = arith.constant 0 : i32
      %dma_start3A_612 = arith.constant 0 : i32
      %dma_start3A_613 = tpu.memref_slice %arg7[%select_n3A_447, %dma_start3A_609, %dma_start3A_610, %dma_start3A_611, %dma_start3A_612] : memref<2x4x4x8x129xf32, #tpu.memory_space<vmem>> -> memref<1x4x4x8x129xf32, #tpu.memory_space<vmem>>
      %dma_start3A_614 = tpu.memref_squeeze %dma_start3A_613 : memref<1x4x4x8x129xf32, #tpu.memory_space<vmem>> -> memref<4x4x8x129xf32, #tpu.memory_space<vmem>>
      %dma_start3A_615 = arith.constant 0 : i32
      %dma_start3A_616 = arith.constant 0 : i32
      %dma_start3A_617 = arith.constant 0 : i32
      %dma_start3A_618 = tpu.memref_slice %dma_start3A_614[%dma_start3A_588, %dma_start3A_615, %dma_start3A_616, %dma_start3A_617] : memref<4x4x8x129xf32, #tpu.memory_space<vmem>> -> memref<1x4x8x128xf32, #tpu.memory_space<vmem>>
      %dma_start3A_619 = tpu.memref_squeeze %dma_start3A_618 : memref<1x4x8x128xf32, #tpu.memory_space<vmem>> -> memref<4x8x128xf32, #tpu.memory_space<vmem>>
      tpu.enqueue_dma source(%dma_start3A_619 : memref<4x8x128xf32, #tpu.memory_space<vmem>>) target(%dma_start3A_608 : memref<4x8x128xf32, #tpu.memory_space<hbm>>) target_semaphore(%arg9 : memref<!tpu.dma_semaphore, #tpu.memory_space<semaphore_mem>>)
      %dma_start3A_620 = arith.constant 1 : i32
      %dma_start3A_621 = arith.constant 1 : i32
      %dma_start3A_622 = arith.constant 0 : i32
      %dma_start3A_623 = arith.constant 0 : i32
      %dma_start3A_624 = arith.constant 0 : i32
      %dma_start3A_625 = arith.constant 0 : i32
      %dma_start3A_626 = tpu.memref_slice %arg7[%select_n3A_447, %dma_start3A_622, %dma_start3A_623, %dma_start3A_624, %dma_start3A_625] : memref<2x4x4x8x129xf32, #tpu.memory_space<vmem>> -> memref<1x4x4x8x129xf32, #tpu.memory_space<vmem>>
      %dma_start3A_627 = tpu.memref_squeeze %dma_start3A_626 : memref<1x4x4x8x129xf32, #tpu.memory_space<vmem>> -> memref<4x4x8x129xf32, #tpu.memory_space<vmem>>
      %dma_start3A_628 = arith.constant 0 : i32
      %dma_start3A_629 = arith.constant 0 : i32
      %dma_start3A_630 = arith.constant 0 : i32
      %dma_start3A_631 = tpu.memref_slice %dma_start3A_627[%dma_start3A_620, %dma_start3A_628, %dma_start3A_629, %dma_start3A_630] : memref<4x4x8x129xf32, #tpu.memory_space<vmem>> -> memref<1x4x8x128xf32, #tpu.memory_space<vmem>>
      %dma_start3A_632 = tpu.memref_squeeze %dma_start3A_631 : memref<1x4x8x128xf32, #tpu.memory_space<vmem>> -> memref<4x8x128xf32, #tpu.memory_space<vmem>>
      %dma_start3A_633 = arith.constant 0 : i32
      %dma_start3A_634 = arith.constant 0 : i32
      %dma_start3A_635 = tpu.memref_slice %arg4[%select_n3A_571, %dma_start3A_621, %select_n3A_587, %dma_start3A_633, %dma_start3A_634] : memref<50x4x128x8x128xf32, #tpu.memory_space<hbm>> -> memref<1x1x4x8x128xf32, #tpu.memory_space<hbm>>
      %dma_start3A_636 = tpu.memref_squeeze %dma_start3A_635 : memref<1x1x4x8x128xf32, #tpu.memory_space<hbm>> -> memref<4x8x128xf32, #tpu.memory_space<hbm>>
      %dma_start3A_637 = arith.constant 0 : i32
      %dma_start3A_638 = arith.constant 0 : i32
      %dma_start3A_639 = tpu.memref_slice %arg4[%select_n3A_571, %dma_start3A_621, %select_n3A_587, %dma_start3A_637, %dma_start3A_638] : memref<50x4x128x8x128xf32, #tpu.memory_space<hbm>> -> memref<1x1x4x8x128xf32, #tpu.memory_space<hbm>>
      %dma_start3A_640 = tpu.memref_squeeze %dma_start3A_639 : memref<1x1x4x8x128xf32, #tpu.memory_space<hbm>> -> memref<4x8x128xf32, #tpu.memory_space<hbm>>
      %dma_start3A_641 = arith.constant 0 : i32
      %dma_start3A_642 = arith.constant 0 : i32
      %dma_start3A_643 = arith.constant 0 : i32
      %dma_start3A_644 = arith.constant 0 : i32
      %dma_start3A_645 = tpu.memref_slice %arg7[%select_n3A_447, %dma_start3A_641, %dma_start3A_642, %dma_start3A_643, %dma_start3A_644] : memref<2x4x4x8x129xf32, #tpu.memory_space<vmem>> -> memref<1x4x4x8x129xf32, #tpu.memory_space<vmem>>
      %dma_start3A_646 = tpu.memref_squeeze %dma_start3A_645 : memref<1x4x4x8x129xf32, #tpu.memory_space<vmem>> -> memref<4x4x8x129xf32, #tpu.memory_space<vmem>>
      %dma_start3A_647 = arith.constant 0 : i32
      %dma_start3A_648 = arith.constant 0 : i32
      %dma_start3A_649 = arith.constant 0 : i32
      %dma_start3A_650 = tpu.memref_slice %dma_start3A_646[%dma_start3A_620, %dma_start3A_647, %dma_start3A_648, %dma_start3A_649] : memref<4x4x8x129xf32, #tpu.memory_space<vmem>> -> memref<1x4x8x128xf32, #tpu.memory_space<vmem>>
      %dma_start3A_651 = tpu.memref_squeeze %dma_start3A_650 : memref<1x4x8x128xf32, #tpu.memory_space<vmem>> -> memref<4x8x128xf32, #tpu.memory_space<vmem>>
      tpu.enqueue_dma source(%dma_start3A_651 : memref<4x8x128xf32, #tpu.memory_space<vmem>>) target(%dma_start3A_640 : memref<4x8x128xf32, #tpu.memory_space<hbm>>) target_semaphore(%arg9 : memref<!tpu.dma_semaphore, #tpu.memory_space<semaphore_mem>>)
      %dma_start3A_652 = arith.constant 2 : i32
      %dma_start3A_653 = arith.constant 2 : i32
      %dma_start3A_654 = arith.constant 0 : i32
      %dma_start3A_655 = arith.constant 0 : i32
      %dma_start3A_656 = arith.constant 0 : i32
      %dma_start3A_657 = arith.constant 0 : i32
      %dma_start3A_658 = tpu.memref_slice %arg7[%select_n3A_447, %dma_start3A_654, %dma_start3A_655, %dma_start3A_656, %dma_start3A_657] : memref<2x4x4x8x129xf32, #tpu.memory_space<vmem>> -> memref<1x4x4x8x129xf32, #tpu.memory_space<vmem>>
      %dma_start3A_659 = tpu.memref_squeeze %dma_start3A_658 : memref<1x4x4x8x129xf32, #tpu.memory_space<vmem>> -> memref<4x4x8x129xf32, #tpu.memory_space<vmem>>
      %dma_start3A_660 = arith.constant 0 : i32
      %dma_start3A_661 = arith.constant 0 : i32
      %dma_start3A_662 = arith.constant 0 : i32
      %dma_start3A_663 = tpu.memref_slice %dma_start3A_659[%dma_start3A_652, %dma_start3A_660, %dma_start3A_661, %dma_start3A_662] : memref<4x4x8x129xf32, #tpu.memory_space<vmem>> -> memref<1x4x8x128xf32, #tpu.memory_space<vmem>>
      %dma_start3A_664 = tpu.memref_squeeze %dma_start3A_663 : memref<1x4x8x128xf32, #tpu.memory_space<vmem>> -> memref<4x8x128xf32, #tpu.memory_space<vmem>>
      %dma_start3A_665 = arith.constant 0 : i32
      %dma_start3A_666 = arith.constant 0 : i32
      %dma_start3A_667 = tpu.memref_slice %arg4[%select_n3A_571, %dma_start3A_653, %select_n3A_587, %dma_start3A_665, %dma_start3A_666] : memref<50x4x128x8x128xf32, #tpu.memory_space<hbm>> -> memref<1x1x4x8x128xf32, #tpu.memory_space<hbm>>
      %dma_start3A_668 = tpu.memref_squeeze %dma_start3A_667 : memref<1x1x4x8x128xf32, #tpu.memory_space<hbm>> -> memref<4x8x128xf32, #tpu.memory_space<hbm>>
      %dma_start3A_669 = arith.constant 0 : i32
      %dma_start3A_670 = arith.constant 0 : i32
      %dma_start3A_671 = tpu.memref_slice %arg4[%select_n3A_571, %dma_start3A_653, %select_n3A_587, %dma_start3A_669, %dma_start3A_670] : memref<50x4x128x8x128xf32, #tpu.memory_space<hbm>> -> memref<1x1x4x8x128xf32, #tpu.memory_space<hbm>>
      %dma_start3A_672 = tpu.memref_squeeze %dma_start3A_671 : memref<1x1x4x8x128xf32, #tpu.memory_space<hbm>> -> memref<4x8x128xf32, #tpu.memory_space<hbm>>
      %dma_start3A_673 = arith.constant 0 : i32
      %dma_start3A_674 = arith.constant 0 : i32
      %dma_start3A_675 = arith.constant 0 : i32
      %dma_start3A_676 = arith.constant 0 : i32
      %dma_start3A_677 = tpu.memref_slice %arg7[%select_n3A_447, %dma_start3A_673, %dma_start3A_674, %dma_start3A_675, %dma_start3A_676] : memref<2x4x4x8x129xf32, #tpu.memory_space<vmem>> -> memref<1x4x4x8x129xf32, #tpu.memory_space<vmem>>
      %dma_start3A_678 = tpu.memref_squeeze %dma_start3A_677 : memref<1x4x4x8x129xf32, #tpu.memory_space<vmem>> -> memref<4x4x8x129xf32, #tpu.memory_space<vmem>>
      %dma_start3A_679 = arith.constant 0 : i32
      %dma_start3A_680 = arith.constant 0 : i32
      %dma_start3A_681 = arith.constant 0 : i32
      %dma_start3A_682 = tpu.memref_slice %dma_start3A_678[%dma_start3A_652, %dma_start3A_679, %dma_start3A_680, %dma_start3A_681] : memref<4x4x8x129xf32, #tpu.memory_space<vmem>> -> memref<1x4x8x128xf32, #tpu.memory_space<vmem>>
      %dma_start3A_683 = tpu.memref_squeeze %dma_start3A_682 : memref<1x4x8x128xf32, #tpu.memory_space<vmem>> -> memref<4x8x128xf32, #tpu.memory_space<vmem>>
      tpu.enqueue_dma source(%dma_start3A_683 : memref<4x8x128xf32, #tpu.memory_space<vmem>>) target(%dma_start3A_672 : memref<4x8x128xf32, #tpu.memory_space<hbm>>) target_semaphore(%arg9 : memref<!tpu.dma_semaphore, #tpu.memory_space<semaphore_mem>>)
      %dma_start3A_684 = arith.constant 3 : i32
      %dma_start3A_685 = arith.constant 3 : i32
      %dma_start3A_686 = arith.constant 0 : i32
      %dma_start3A_687 = arith.constant 0 : i32
      %dma_start3A_688 = arith.constant 0 : i32
      %dma_start3A_689 = arith.constant 0 : i32
      %dma_start3A_690 = tpu.memref_slice %arg7[%select_n3A_447, %dma_start3A_686, %dma_start3A_687, %dma_start3A_688, %dma_start3A_689] : memref<2x4x4x8x129xf32, #tpu.memory_space<vmem>> -> memref<1x4x4x8x129xf32, #tpu.memory_space<vmem>>
      %dma_start3A_691 = tpu.memref_squeeze %dma_start3A_690 : memref<1x4x4x8x129xf32, #tpu.memory_space<vmem>> -> memref<4x4x8x129xf32, #tpu.memory_space<vmem>>
      %dma_start3A_692 = arith.constant 0 : i32
      %dma_start3A_693 = arith.constant 0 : i32
      %dma_start3A_694 = arith.constant 0 : i32
      %dma_start3A_695 = tpu.memref_slice %dma_start3A_691[%dma_start3A_684, %dma_start3A_692, %dma_start3A_693, %dma_start3A_694] : memref<4x4x8x129xf32, #tpu.memory_space<vmem>> -> memref<1x4x8x128xf32, #tpu.memory_space<vmem>>
      %dma_start3A_696 = tpu.memref_squeeze %dma_start3A_695 : memref<1x4x8x128xf32, #tpu.memory_space<vmem>> -> memref<4x8x128xf32, #tpu.memory_space<vmem>>
      %dma_start3A_697 = arith.constant 0 : i32
      %dma_start3A_698 = arith.constant 0 : i32
      %dma_start3A_699 = tpu.memref_slice %arg4[%select_n3A_571, %dma_start3A_685, %select_n3A_587, %dma_start3A_697, %dma_start3A_698] : memref<50x4x128x8x128xf32, #tpu.memory_space<hbm>> -> memref<1x1x4x8x128xf32, #tpu.memory_space<hbm>>
      %dma_start3A_700 = tpu.memref_squeeze %dma_start3A_699 : memref<1x1x4x8x128xf32, #tpu.memory_space<hbm>> -> memref<4x8x128xf32, #tpu.memory_space<hbm>>
      %dma_start3A_701 = arith.constant 0 : i32
      %dma_start3A_702 = arith.constant 0 : i32
      %dma_start3A_703 = tpu.memref_slice %arg4[%select_n3A_571, %dma_start3A_685, %select_n3A_587, %dma_start3A_701, %dma_start3A_702] : memref<50x4x128x8x128xf32, #tpu.memory_space<hbm>> -> memref<1x1x4x8x128xf32, #tpu.memory_space<hbm>>
      %dma_start3A_704 = tpu.memref_squeeze %dma_start3A_703 : memref<1x1x4x8x128xf32, #tpu.memory_space<hbm>> -> memref<4x8x128xf32, #tpu.memory_space<hbm>>
      %dma_start3A_705 = arith.constant 0 : i32
      %dma_start3A_706 = arith.constant 0 : i32
      %dma_start3A_707 = arith.constant 0 : i32
      %dma_start3A_708 = arith.constant 0 : i32
      %dma_start3A_709 = tpu.memref_slice %arg7[%select_n3A_447, %dma_start3A_705, %dma_start3A_706, %dma_start3A_707, %dma_start3A_708] : memref<2x4x4x8x129xf32, #tpu.memory_space<vmem>> -> memref<1x4x4x8x129xf32, #tpu.memory_space<vmem>>
      %dma_start3A_710 = tpu.memref_squeeze %dma_start3A_709 : memref<1x4x4x8x129xf32, #tpu.memory_space<vmem>> -> memref<4x4x8x129xf32, #tpu.memory_space<vmem>>
      %dma_start3A_711 = arith.constant 0 : i32
      %dma_start3A_712 = arith.constant 0 : i32
      %dma_start3A_713 = arith.constant 0 : i32
      %dma_start3A_714 = tpu.memref_slice %dma_start3A_710[%dma_start3A_684, %dma_start3A_711, %dma_start3A_712, %dma_start3A_713] : memref<4x4x8x129xf32, #tpu.memory_space<vmem>> -> memref<1x4x8x128xf32, #tpu.memory_space<vmem>>
      %dma_start3A_715 = tpu.memref_squeeze %dma_start3A_714 : memref<1x4x8x128xf32, #tpu.memory_space<vmem>> -> memref<4x8x128xf32, #tpu.memory_space<vmem>>
      tpu.enqueue_dma source(%dma_start3A_715 : memref<4x8x128xf32, #tpu.memory_space<vmem>>) target(%dma_start3A_704 : memref<4x8x128xf32, #tpu.memory_space<hbm>>) target_semaphore(%arg9 : memref<!tpu.dma_semaphore, #tpu.memory_space<semaphore_mem>>)
    }
    %scan3A_143 = arith.constant 50 : i32
    %dma_wait3A = arith.constant 0 : i32
    %dma_wait3A_144 = arith.constant 0 : i32
    %dma_wait3A_145 = arith.constant 0 : i32
    %dma_wait3A_146 = arith.constant 0 : i32
    %dma_wait3A_147 = arith.constant 0 : i32
    %dma_wait3A_148 = arith.constant 0 : i32
    %dma_wait3A_149 = arith.constant 0 : i32
    %dma_wait3A_150 = arith.constant 0 : i32
    %dma_wait3A_151 = tpu.memref_slice %arg7[%dma_wait3A, %dma_wait3A_147, %dma_wait3A_148, %dma_wait3A_149, %dma_wait3A_150] : memref<2x4x4x8x129xf32, #tpu.memory_space<vmem>> -> memref<1x4x4x8x129xf32, #tpu.memory_space<vmem>>
    %dma_wait3A_152 = tpu.memref_squeeze %dma_wait3A_151 : memref<1x4x4x8x129xf32, #tpu.memory_space<vmem>> -> memref<4x4x8x129xf32, #tpu.memory_space<vmem>>
    %dma_wait3A_153 = arith.constant 0 : i32
    %dma_wait3A_154 = arith.constant 0 : i32
    %dma_wait3A_155 = arith.constant 0 : i32
    %dma_wait3A_156 = tpu.memref_slice %dma_wait3A_152[%dma_wait3A_144, %dma_wait3A_153, %dma_wait3A_154, %dma_wait3A_155] : memref<4x4x8x129xf32, #tpu.memory_space<vmem>> -> memref<1x4x8x128xf32, #tpu.memory_space<vmem>>
    %dma_wait3A_157 = tpu.memref_squeeze %dma_wait3A_156 : memref<1x4x8x128xf32, #tpu.memory_space<vmem>> -> memref<4x8x128xf32, #tpu.memory_space<vmem>>
    %dma_wait3A_158 = arith.constant 0 : i32
    %dma_wait3A_159 = arith.constant 0 : i32
    %dma_wait3A_160 = arith.constant 0 : i32
    %dma_wait3A_161 = tpu.memref_slice %arg4[%dma_wait3A_145, %dma_wait3A_146, %dma_wait3A_158, %dma_wait3A_159, %dma_wait3A_160] : memref<50x4x128x8x128xf32, #tpu.memory_space<hbm>> -> memref<1x1x4x8x128xf32, #tpu.memory_space<hbm>>
    %dma_wait3A_162 = tpu.memref_squeeze %dma_wait3A_161 : memref<1x1x4x8x128xf32, #tpu.memory_space<hbm>> -> memref<4x8x128xf32, #tpu.memory_space<hbm>>
    %dma_wait3A_163 = arith.constant 0 : i32
    %dma_wait3A_164 = arith.constant 0 : i32
    %dma_wait3A_165 = arith.constant 0 : i32
    %dma_wait3A_166 = tpu.memref_slice %arg4[%dma_wait3A_145, %dma_wait3A_146, %dma_wait3A_163, %dma_wait3A_164, %dma_wait3A_165] : memref<50x4x128x8x128xf32, #tpu.memory_space<hbm>> -> memref<1x1x4x8x128xf32, #tpu.memory_space<hbm>>
    %dma_wait3A_167 = tpu.memref_squeeze %dma_wait3A_166 : memref<1x1x4x8x128xf32, #tpu.memory_space<hbm>> -> memref<4x8x128xf32, #tpu.memory_space<hbm>>
    %dma_wait3A_168 = arith.constant 0 : i32
    %dma_wait3A_169 = arith.constant 0 : i32
    %dma_wait3A_170 = arith.constant 0 : i32
    %dma_wait3A_171 = arith.constant 0 : i32
    %dma_wait3A_172 = tpu.memref_slice %arg7[%dma_wait3A, %dma_wait3A_168, %dma_wait3A_169, %dma_wait3A_170, %dma_wait3A_171] : memref<2x4x4x8x129xf32, #tpu.memory_space<vmem>> -> memref<1x4x4x8x129xf32, #tpu.memory_space<vmem>>
    %dma_wait3A_173 = tpu.memref_squeeze %dma_wait3A_172 : memref<1x4x4x8x129xf32, #tpu.memory_space<vmem>> -> memref<4x4x8x129xf32, #tpu.memory_space<vmem>>
    %dma_wait3A_174 = arith.constant 0 : i32
    %dma_wait3A_175 = arith.constant 0 : i32
    %dma_wait3A_176 = arith.constant 0 : i32
    %dma_wait3A_177 = tpu.memref_slice %dma_wait3A_173[%dma_wait3A_144, %dma_wait3A_174, %dma_wait3A_175, %dma_wait3A_176] : memref<4x4x8x129xf32, #tpu.memory_space<vmem>> -> memref<1x4x8x128xf32, #tpu.memory_space<vmem>>
    %dma_wait3A_178 = tpu.memref_squeeze %dma_wait3A_177 : memref<1x4x8x128xf32, #tpu.memory_space<vmem>> -> memref<4x8x128xf32, #tpu.memory_space<vmem>>
    tpu.wait_dma2 semaphore(%arg9 : memref<!tpu.dma_semaphore, #tpu.memory_space<semaphore_mem>>) src(%dma_wait3A_178 : memref<4x8x128xf32, #tpu.memory_space<vmem>>) dst(%dma_wait3A_167 : memref<4x8x128xf32, #tpu.memory_space<hbm>>)
    %dma_wait3A_179 = arith.constant 0 : i32
    %dma_wait3A_180 = arith.constant 1 : i32
    %dma_wait3A_181 = arith.constant 0 : i32
    %dma_wait3A_182 = arith.constant 1 : i32
    %dma_wait3A_183 = arith.constant 0 : i32
    %dma_wait3A_184 = arith.constant 0 : i32
    %dma_wait3A_185 = arith.constant 0 : i32
    %dma_wait3A_186 = arith.constant 0 : i32
    %dma_wait3A_187 = tpu.memref_slice %arg7[%dma_wait3A_179, %dma_wait3A_183, %dma_wait3A_184, %dma_wait3A_185, %dma_wait3A_186] : memref<2x4x4x8x129xf32, #tpu.memory_space<vmem>> -> memref<1x4x4x8x129xf32, #tpu.memory_space<vmem>>
    %dma_wait3A_188 = tpu.memref_squeeze %dma_wait3A_187 : memref<1x4x4x8x129xf32, #tpu.memory_space<vmem>> -> memref<4x4x8x129xf32, #tpu.memory_space<vmem>>
    %dma_wait3A_189 = arith.constant 0 : i32
    %dma_wait3A_190 = arith.constant 0 : i32
    %dma_wait3A_191 = arith.constant 0 : i32
    %dma_wait3A_192 = tpu.memref_slice %dma_wait3A_188[%dma_wait3A_180, %dma_wait3A_189, %dma_wait3A_190, %dma_wait3A_191] : memref<4x4x8x129xf32, #tpu.memory_space<vmem>> -> memref<1x4x8x128xf32, #tpu.memory_space<vmem>>
    %dma_wait3A_193 = tpu.memref_squeeze %dma_wait3A_192 : memref<1x4x8x128xf32, #tpu.memory_space<vmem>> -> memref<4x8x128xf32, #tpu.memory_space<vmem>>
    %dma_wait3A_194 = arith.constant 0 : i32
    %dma_wait3A_195 = arith.constant 0 : i32
    %dma_wait3A_196 = arith.constant 0 : i32
    %dma_wait3A_197 = tpu.memref_slice %arg4[%dma_wait3A_181, %dma_wait3A_182, %dma_wait3A_194, %dma_wait3A_195, %dma_wait3A_196] : memref<50x4x128x8x128xf32, #tpu.memory_space<hbm>> -> memref<1x1x4x8x128xf32, #tpu.memory_space<hbm>>
    %dma_wait3A_198 = tpu.memref_squeeze %dma_wait3A_197 : memref<1x1x4x8x128xf32, #tpu.memory_space<hbm>> -> memref<4x8x128xf32, #tpu.memory_space<hbm>>
    %dma_wait3A_199 = arith.constant 0 : i32
    %dma_wait3A_200 = arith.constant 0 : i32
    %dma_wait3A_201 = arith.constant 0 : i32
    %dma_wait3A_202 = tpu.memref_slice %arg4[%dma_wait3A_181, %dma_wait3A_182, %dma_wait3A_199, %dma_wait3A_200, %dma_wait3A_201] : memref<50x4x128x8x128xf32, #tpu.memory_space<hbm>> -> memref<1x1x4x8x128xf32, #tpu.memory_space<hbm>>
    %dma_wait3A_203 = tpu.memref_squeeze %dma_wait3A_202 : memref<1x1x4x8x128xf32, #tpu.memory_space<hbm>> -> memref<4x8x128xf32, #tpu.memory_space<hbm>>
    %dma_wait3A_204 = arith.constant 0 : i32
    %dma_wait3A_205 = arith.constant 0 : i32
    %dma_wait3A_206 = arith.constant 0 : i32
    %dma_wait3A_207 = arith.constant 0 : i32
    %dma_wait3A_208 = tpu.memref_slice %arg7[%dma_wait3A_179, %dma_wait3A_204, %dma_wait3A_205, %dma_wait3A_206, %dma_wait3A_207] : memref<2x4x4x8x129xf32, #tpu.memory_space<vmem>> -> memref<1x4x4x8x129xf32, #tpu.memory_space<vmem>>
    %dma_wait3A_209 = tpu.memref_squeeze %dma_wait3A_208 : memref<1x4x4x8x129xf32, #tpu.memory_space<vmem>> -> memref<4x4x8x129xf32, #tpu.memory_space<vmem>>
    %dma_wait3A_210 = arith.constant 0 : i32
    %dma_wait3A_211 = arith.constant 0 : i32
    %dma_wait3A_212 = arith.constant 0 : i32
    %dma_wait3A_213 = tpu.memref_slice %dma_wait3A_209[%dma_wait3A_180, %dma_wait3A_210, %dma_wait3A_211, %dma_wait3A_212] : memref<4x4x8x129xf32, #tpu.memory_space<vmem>> -> memref<1x4x8x128xf32, #tpu.memory_space<vmem>>
    %dma_wait3A_214 = tpu.memref_squeeze %dma_wait3A_213 : memref<1x4x8x128xf32, #tpu.memory_space<vmem>> -> memref<4x8x128xf32, #tpu.memory_space<vmem>>
    tpu.wait_dma2 semaphore(%arg9 : memref<!tpu.dma_semaphore, #tpu.memory_space<semaphore_mem>>) src(%dma_wait3A_214 : memref<4x8x128xf32, #tpu.memory_space<vmem>>) dst(%dma_wait3A_203 : memref<4x8x128xf32, #tpu.memory_space<hbm>>)
    %dma_wait3A_215 = arith.constant 0 : i32
    %dma_wait3A_216 = arith.constant 2 : i32
    %dma_wait3A_217 = arith.constant 0 : i32
    %dma_wait3A_218 = arith.constant 2 : i32
    %dma_wait3A_219 = arith.constant 0 : i32
    %dma_wait3A_220 = arith.constant 0 : i32
    %dma_wait3A_221 = arith.constant 0 : i32
    %dma_wait3A_222 = arith.constant 0 : i32
    %dma_wait3A_223 = tpu.memref_slice %arg7[%dma_wait3A_215, %dma_wait3A_219, %dma_wait3A_220, %dma_wait3A_221, %dma_wait3A_222] : memref<2x4x4x8x129xf32, #tpu.memory_space<vmem>> -> memref<1x4x4x8x129xf32, #tpu.memory_space<vmem>>
    %dma_wait3A_224 = tpu.memref_squeeze %dma_wait3A_223 : memref<1x4x4x8x129xf32, #tpu.memory_space<vmem>> -> memref<4x4x8x129xf32, #tpu.memory_space<vmem>>
    %dma_wait3A_225 = arith.constant 0 : i32
    %dma_wait3A_226 = arith.constant 0 : i32
    %dma_wait3A_227 = arith.constant 0 : i32
    %dma_wait3A_228 = tpu.memref_slice %dma_wait3A_224[%dma_wait3A_216, %dma_wait3A_225, %dma_wait3A_226, %dma_wait3A_227] : memref<4x4x8x129xf32, #tpu.memory_space<vmem>> -> memref<1x4x8x128xf32, #tpu.memory_space<vmem>>
    %dma_wait3A_229 = tpu.memref_squeeze %dma_wait3A_228 : memref<1x4x8x128xf32, #tpu.memory_space<vmem>> -> memref<4x8x128xf32, #tpu.memory_space<vmem>>
    %dma_wait3A_230 = arith.constant 0 : i32
    %dma_wait3A_231 = arith.constant 0 : i32
    %dma_wait3A_232 = arith.constant 0 : i32
    %dma_wait3A_233 = tpu.memref_slice %arg4[%dma_wait3A_217, %dma_wait3A_218, %dma_wait3A_230, %dma_wait3A_231, %dma_wait3A_232] : memref<50x4x128x8x128xf32, #tpu.memory_space<hbm>> -> memref<1x1x4x8x128xf32, #tpu.memory_space<hbm>>
    %dma_wait3A_234 = tpu.memref_squeeze %dma_wait3A_233 : memref<1x1x4x8x128xf32, #tpu.memory_space<hbm>> -> memref<4x8x128xf32, #tpu.memory_space<hbm>>
    %dma_wait3A_235 = arith.constant 0 : i32
    %dma_wait3A_236 = arith.constant 0 : i32
    %dma_wait3A_237 = arith.constant 0 : i32
    %dma_wait3A_238 = tpu.memref_slice %arg4[%dma_wait3A_217, %dma_wait3A_218, %dma_wait3A_235, %dma_wait3A_236, %dma_wait3A_237] : memref<50x4x128x8x128xf32, #tpu.memory_space<hbm>> -> memref<1x1x4x8x128xf32, #tpu.memory_space<hbm>>
    %dma_wait3A_239 = tpu.memref_squeeze %dma_wait3A_238 : memref<1x1x4x8x128xf32, #tpu.memory_space<hbm>> -> memref<4x8x128xf32, #tpu.memory_space<hbm>>
    %dma_wait3A_240 = arith.constant 0 : i32
    %dma_wait3A_241 = arith.constant 0 : i32
    %dma_wait3A_242 = arith.constant 0 : i32
    %dma_wait3A_243 = arith.constant 0 : i32
    %dma_wait3A_244 = tpu.memref_slice %arg7[%dma_wait3A_215, %dma_wait3A_240, %dma_wait3A_241, %dma_wait3A_242, %dma_wait3A_243] : memref<2x4x4x8x129xf32, #tpu.memory_space<vmem>> -> memref<1x4x4x8x129xf32, #tpu.memory_space<vmem>>
    %dma_wait3A_245 = tpu.memref_squeeze %dma_wait3A_244 : memref<1x4x4x8x129xf32, #tpu.memory_space<vmem>> -> memref<4x4x8x129xf32, #tpu.memory_space<vmem>>
    %dma_wait3A_246 = arith.constant 0 : i32
    %dma_wait3A_247 = arith.constant 0 : i32
    %dma_wait3A_248 = arith.constant 0 : i32
    %dma_wait3A_249 = tpu.memref_slice %dma_wait3A_245[%dma_wait3A_216, %dma_wait3A_246, %dma_wait3A_247, %dma_wait3A_248] : memref<4x4x8x129xf32, #tpu.memory_space<vmem>> -> memref<1x4x8x128xf32, #tpu.memory_space<vmem>>
    %dma_wait3A_250 = tpu.memref_squeeze %dma_wait3A_249 : memref<1x4x8x128xf32, #tpu.memory_space<vmem>> -> memref<4x8x128xf32, #tpu.memory_space<vmem>>
    tpu.wait_dma2 semaphore(%arg9 : memref<!tpu.dma_semaphore, #tpu.memory_space<semaphore_mem>>) src(%dma_wait3A_250 : memref<4x8x128xf32, #tpu.memory_space<vmem>>) dst(%dma_wait3A_239 : memref<4x8x128xf32, #tpu.memory_space<hbm>>)
    %dma_wait3A_251 = arith.constant 0 : i32
    %dma_wait3A_252 = arith.constant 3 : i32
    %dma_wait3A_253 = arith.constant 0 : i32
    %dma_wait3A_254 = arith.constant 3 : i32
    %dma_wait3A_255 = arith.constant 0 : i32
    %dma_wait3A_256 = arith.constant 0 : i32
    %dma_wait3A_257 = arith.constant 0 : i32
    %dma_wait3A_258 = arith.constant 0 : i32
    %dma_wait3A_259 = tpu.memref_slice %arg7[%dma_wait3A_251, %dma_wait3A_255, %dma_wait3A_256, %dma_wait3A_257, %dma_wait3A_258] : memref<2x4x4x8x129xf32, #tpu.memory_space<vmem>> -> memref<1x4x4x8x129xf32, #tpu.memory_space<vmem>>
    %dma_wait3A_260 = tpu.memref_squeeze %dma_wait3A_259 : memref<1x4x4x8x129xf32, #tpu.memory_space<vmem>> -> memref<4x4x8x129xf32, #tpu.memory_space<vmem>>
    %dma_wait3A_261 = arith.constant 0 : i32
    %dma_wait3A_262 = arith.constant 0 : i32
    %dma_wait3A_263 = arith.constant 0 : i32
    %dma_wait3A_264 = tpu.memref_slice %dma_wait3A_260[%dma_wait3A_252, %dma_wait3A_261, %dma_wait3A_262, %dma_wait3A_263] : memref<4x4x8x129xf32, #tpu.memory_space<vmem>> -> memref<1x4x8x128xf32, #tpu.memory_space<vmem>>
    %dma_wait3A_265 = tpu.memref_squeeze %dma_wait3A_264 : memref<1x4x8x128xf32, #tpu.memory_space<vmem>> -> memref<4x8x128xf32, #tpu.memory_space<vmem>>
    %dma_wait3A_266 = arith.constant 0 : i32
    %dma_wait3A_267 = arith.constant 0 : i32
    %dma_wait3A_268 = arith.constant 0 : i32
    %dma_wait3A_269 = tpu.memref_slice %arg4[%dma_wait3A_253, %dma_wait3A_254, %dma_wait3A_266, %dma_wait3A_267, %dma_wait3A_268] : memref<50x4x128x8x128xf32, #tpu.memory_space<hbm>> -> memref<1x1x4x8x128xf32, #tpu.memory_space<hbm>>
    %dma_wait3A_270 = tpu.memref_squeeze %dma_wait3A_269 : memref<1x1x4x8x128xf32, #tpu.memory_space<hbm>> -> memref<4x8x128xf32, #tpu.memory_space<hbm>>
    %dma_wait3A_271 = arith.constant 0 : i32
    %dma_wait3A_272 = arith.constant 0 : i32
    %dma_wait3A_273 = arith.constant 0 : i32
    %dma_wait3A_274 = tpu.memref_slice %arg4[%dma_wait3A_253, %dma_wait3A_254, %dma_wait3A_271, %dma_wait3A_272, %dma_wait3A_273] : memref<50x4x128x8x128xf32, #tpu.memory_space<hbm>> -> memref<1x1x4x8x128xf32, #tpu.memory_space<hbm>>
    %dma_wait3A_275 = tpu.memref_squeeze %dma_wait3A_274 : memref<1x1x4x8x128xf32, #tpu.memory_space<hbm>> -> memref<4x8x128xf32, #tpu.memory_space<hbm>>
    %dma_wait3A_276 = arith.constant 0 : i32
    %dma_wait3A_277 = arith.constant 0 : i32
    %dma_wait3A_278 = arith.constant 0 : i32
    %dma_wait3A_279 = arith.constant 0 : i32
    %dma_wait3A_280 = tpu.memref_slice %arg7[%dma_wait3A_251, %dma_wait3A_276, %dma_wait3A_277, %dma_wait3A_278, %dma_wait3A_279] : memref<2x4x4x8x129xf32, #tpu.memory_space<vmem>> -> memref<1x4x4x8x129xf32, #tpu.memory_space<vmem>>
    %dma_wait3A_281 = tpu.memref_squeeze %dma_wait3A_280 : memref<1x4x4x8x129xf32, #tpu.memory_space<vmem>> -> memref<4x4x8x129xf32, #tpu.memory_space<vmem>>
    %dma_wait3A_282 = arith.constant 0 : i32
    %dma_wait3A_283 = arith.constant 0 : i32
    %dma_wait3A_284 = arith.constant 0 : i32
    %dma_wait3A_285 = tpu.memref_slice %dma_wait3A_281[%dma_wait3A_252, %dma_wait3A_282, %dma_wait3A_283, %dma_wait3A_284] : memref<4x4x8x129xf32, #tpu.memory_space<vmem>> -> memref<1x4x8x128xf32, #tpu.memory_space<vmem>>
    %dma_wait3A_286 = tpu.memref_squeeze %dma_wait3A_285 : memref<1x4x8x128xf32, #tpu.memory_space<vmem>> -> memref<4x8x128xf32, #tpu.memory_space<vmem>>
    tpu.wait_dma2 semaphore(%arg9 : memref<!tpu.dma_semaphore, #tpu.memory_space<semaphore_mem>>) src(%dma_wait3A_286 : memref<4x8x128xf32, #tpu.memory_space<vmem>>) dst(%dma_wait3A_275 : memref<4x8x128xf32, #tpu.memory_space<hbm>>)
    %dma_wait3A_287 = arith.constant 1 : i32
    %dma_wait3A_288 = arith.constant 0 : i32
    %dma_wait3A_289 = arith.constant 0 : i32
    %dma_wait3A_290 = arith.constant 0 : i32
    %dma_wait3A_291 = arith.constant 0 : i32
    %dma_wait3A_292 = arith.constant 0 : i32
    %dma_wait3A_293 = arith.constant 0 : i32
    %dma_wait3A_294 = arith.constant 0 : i32
    %dma_wait3A_295 = tpu.memref_slice %arg7[%dma_wait3A_287, %dma_wait3A_291, %dma_wait3A_292, %dma_wait3A_293, %dma_wait3A_294] : memref<2x4x4x8x129xf32, #tpu.memory_space<vmem>> -> memref<1x4x4x8x129xf32, #tpu.memory_space<vmem>>
    %dma_wait3A_296 = tpu.memref_squeeze %dma_wait3A_295 : memref<1x4x4x8x129xf32, #tpu.memory_space<vmem>> -> memref<4x4x8x129xf32, #tpu.memory_space<vmem>>
    %dma_wait3A_297 = arith.constant 0 : i32
    %dma_wait3A_298 = arith.constant 0 : i32
    %dma_wait3A_299 = arith.constant 0 : i32
    %dma_wait3A_300 = tpu.memref_slice %dma_wait3A_296[%dma_wait3A_288, %dma_wait3A_297, %dma_wait3A_298, %dma_wait3A_299] : memref<4x4x8x129xf32, #tpu.memory_space<vmem>> -> memref<1x4x8x128xf32, #tpu.memory_space<vmem>>
    %dma_wait3A_301 = tpu.memref_squeeze %dma_wait3A_300 : memref<1x4x8x128xf32, #tpu.memory_space<vmem>> -> memref<4x8x128xf32, #tpu.memory_space<vmem>>
    %dma_wait3A_302 = arith.constant 0 : i32
    %dma_wait3A_303 = arith.constant 0 : i32
    %dma_wait3A_304 = arith.constant 0 : i32
    %dma_wait3A_305 = tpu.memref_slice %arg4[%dma_wait3A_289, %dma_wait3A_290, %dma_wait3A_302, %dma_wait3A_303, %dma_wait3A_304] : memref<50x4x128x8x128xf32, #tpu.memory_space<hbm>> -> memref<1x1x4x8x128xf32, #tpu.memory_space<hbm>>
    %dma_wait3A_306 = tpu.memref_squeeze %dma_wait3A_305 : memref<1x1x4x8x128xf32, #tpu.memory_space<hbm>> -> memref<4x8x128xf32, #tpu.memory_space<hbm>>
    %dma_wait3A_307 = arith.constant 0 : i32
    %dma_wait3A_308 = arith.constant 0 : i32
    %dma_wait3A_309 = arith.constant 0 : i32
    %dma_wait3A_310 = tpu.memref_slice %arg4[%dma_wait3A_289, %dma_wait3A_290, %dma_wait3A_307, %dma_wait3A_308, %dma_wait3A_309] : memref<50x4x128x8x128xf32, #tpu.memory_space<hbm>> -> memref<1x1x4x8x128xf32, #tpu.memory_space<hbm>>
    %dma_wait3A_311 = tpu.memref_squeeze %dma_wait3A_310 : memref<1x1x4x8x128xf32, #tpu.memory_space<hbm>> -> memref<4x8x128xf32, #tpu.memory_space<hbm>>
    %dma_wait3A_312 = arith.constant 0 : i32
    %dma_wait3A_313 = arith.constant 0 : i32
    %dma_wait3A_314 = arith.constant 0 : i32
    %dma_wait3A_315 = arith.constant 0 : i32
    %dma_wait3A_316 = tpu.memref_slice %arg7[%dma_wait3A_287, %dma_wait3A_312, %dma_wait3A_313, %dma_wait3A_314, %dma_wait3A_315] : memref<2x4x4x8x129xf32, #tpu.memory_space<vmem>> -> memref<1x4x4x8x129xf32, #tpu.memory_space<vmem>>
    %dma_wait3A_317 = tpu.memref_squeeze %dma_wait3A_316 : memref<1x4x4x8x129xf32, #tpu.memory_space<vmem>> -> memref<4x4x8x129xf32, #tpu.memory_space<vmem>>
    %dma_wait3A_318 = arith.constant 0 : i32
    %dma_wait3A_319 = arith.constant 0 : i32
    %dma_wait3A_320 = arith.constant 0 : i32
    %dma_wait3A_321 = tpu.memref_slice %dma_wait3A_317[%dma_wait3A_288, %dma_wait3A_318, %dma_wait3A_319, %dma_wait3A_320] : memref<4x4x8x129xf32, #tpu.memory_space<vmem>> -> memref<1x4x8x128xf32, #tpu.memory_space<vmem>>
    %dma_wait3A_322 = tpu.memref_squeeze %dma_wait3A_321 : memref<1x4x8x128xf32, #tpu.memory_space<vmem>> -> memref<4x8x128xf32, #tpu.memory_space<vmem>>
    tpu.wait_dma2 semaphore(%arg9 : memref<!tpu.dma_semaphore, #tpu.memory_space<semaphore_mem>>) src(%dma_wait3A_322 : memref<4x8x128xf32, #tpu.memory_space<vmem>>) dst(%dma_wait3A_311 : memref<4x8x128xf32, #tpu.memory_space<hbm>>)
    %dma_wait3A_323 = arith.constant 1 : i32
    %dma_wait3A_324 = arith.constant 1 : i32
    %dma_wait3A_325 = arith.constant 0 : i32
    %dma_wait3A_326 = arith.constant 1 : i32
    %dma_wait3A_327 = arith.constant 0 : i32
    %dma_wait3A_328 = arith.constant 0 : i32
    %dma_wait3A_329 = arith.constant 0 : i32
    %dma_wait3A_330 = arith.constant 0 : i32
    %dma_wait3A_331 = tpu.memref_slice %arg7[%dma_wait3A_323, %dma_wait3A_327, %dma_wait3A_328, %dma_wait3A_329, %dma_wait3A_330] : memref<2x4x4x8x129xf32, #tpu.memory_space<vmem>> -> memref<1x4x4x8x129xf32, #tpu.memory_space<vmem>>
    %dma_wait3A_332 = tpu.memref_squeeze %dma_wait3A_331 : memref<1x4x4x8x129xf32, #tpu.memory_space<vmem>> -> memref<4x4x8x129xf32, #tpu.memory_space<vmem>>
    %dma_wait3A_333 = arith.constant 0 : i32
    %dma_wait3A_334 = arith.constant 0 : i32
    %dma_wait3A_335 = arith.constant 0 : i32
    %dma_wait3A_336 = tpu.memref_slice %dma_wait3A_332[%dma_wait3A_324, %dma_wait3A_333, %dma_wait3A_334, %dma_wait3A_335] : memref<4x4x8x129xf32, #tpu.memory_space<vmem>> -> memref<1x4x8x128xf32, #tpu.memory_space<vmem>>
    %dma_wait3A_337 = tpu.memref_squeeze %dma_wait3A_336 : memref<1x4x8x128xf32, #tpu.memory_space<vmem>> -> memref<4x8x128xf32, #tpu.memory_space<vmem>>
    %dma_wait3A_338 = arith.constant 0 : i32
    %dma_wait3A_339 = arith.constant 0 : i32
    %dma_wait3A_340 = arith.constant 0 : i32
    %dma_wait3A_341 = tpu.memref_slice %arg4[%dma_wait3A_325, %dma_wait3A_326, %dma_wait3A_338, %dma_wait3A_339, %dma_wait3A_340] : memref<50x4x128x8x128xf32, #tpu.memory_space<hbm>> -> memref<1x1x4x8x128xf32, #tpu.memory_space<hbm>>
    %dma_wait3A_342 = tpu.memref_squeeze %dma_wait3A_341 : memref<1x1x4x8x128xf32, #tpu.memory_space<hbm>> -> memref<4x8x128xf32, #tpu.memory_space<hbm>>
    %dma_wait3A_343 = arith.constant 0 : i32
    %dma_wait3A_344 = arith.constant 0 : i32
    %dma_wait3A_345 = arith.constant 0 : i32
    %dma_wait3A_346 = tpu.memref_slice %arg4[%dma_wait3A_325, %dma_wait3A_326, %dma_wait3A_343, %dma_wait3A_344, %dma_wait3A_345] : memref<50x4x128x8x128xf32, #tpu.memory_space<hbm>> -> memref<1x1x4x8x128xf32, #tpu.memory_space<hbm>>
    %dma_wait3A_347 = tpu.memref_squeeze %dma_wait3A_346 : memref<1x1x4x8x128xf32, #tpu.memory_space<hbm>> -> memref<4x8x128xf32, #tpu.memory_space<hbm>>
    %dma_wait3A_348 = arith.constant 0 : i32
    %dma_wait3A_349 = arith.constant 0 : i32
    %dma_wait3A_350 = arith.constant 0 : i32
    %dma_wait3A_351 = arith.constant 0 : i32
    %dma_wait3A_352 = tpu.memref_slice %arg7[%dma_wait3A_323, %dma_wait3A_348, %dma_wait3A_349, %dma_wait3A_350, %dma_wait3A_351] : memref<2x4x4x8x129xf32, #tpu.memory_space<vmem>> -> memref<1x4x4x8x129xf32, #tpu.memory_space<vmem>>
    %dma_wait3A_353 = tpu.memref_squeeze %dma_wait3A_352 : memref<1x4x4x8x129xf32, #tpu.memory_space<vmem>> -> memref<4x4x8x129xf32, #tpu.memory_space<vmem>>
    %dma_wait3A_354 = arith.constant 0 : i32
    %dma_wait3A_355 = arith.constant 0 : i32
    %dma_wait3A_356 = arith.constant 0 : i32
    %dma_wait3A_357 = tpu.memref_slice %dma_wait3A_353[%dma_wait3A_324, %dma_wait3A_354, %dma_wait3A_355, %dma_wait3A_356] : memref<4x4x8x129xf32, #tpu.memory_space<vmem>> -> memref<1x4x8x128xf32, #tpu.memory_space<vmem>>
    %dma_wait3A_358 = tpu.memref_squeeze %dma_wait3A_357 : memref<1x4x8x128xf32, #tpu.memory_space<vmem>> -> memref<4x8x128xf32, #tpu.memory_space<vmem>>
    tpu.wait_dma2 semaphore(%arg9 : memref<!tpu.dma_semaphore, #tpu.memory_space<semaphore_mem>>) src(%dma_wait3A_358 : memref<4x8x128xf32, #tpu.memory_space<vmem>>) dst(%dma_wait3A_347 : memref<4x8x128xf32, #tpu.memory_space<hbm>>)
    %dma_wait3A_359 = arith.constant 1 : i32
    %dma_wait3A_360 = arith.constant 2 : i32
    %dma_wait3A_361 = arith.constant 0 : i32
    %dma_wait3A_362 = arith.constant 2 : i32
    %dma_wait3A_363 = arith.constant 0 : i32
    %dma_wait3A_364 = arith.constant 0 : i32
    %dma_wait3A_365 = arith.constant 0 : i32
    %dma_wait3A_366 = arith.constant 0 : i32
    %dma_wait3A_367 = tpu.memref_slice %arg7[%dma_wait3A_359, %dma_wait3A_363, %dma_wait3A_364, %dma_wait3A_365, %dma_wait3A_366] : memref<2x4x4x8x129xf32, #tpu.memory_space<vmem>> -> memref<1x4x4x8x129xf32, #tpu.memory_space<vmem>>
    %dma_wait3A_368 = tpu.memref_squeeze %dma_wait3A_367 : memref<1x4x4x8x129xf32, #tpu.memory_space<vmem>> -> memref<4x4x8x129xf32, #tpu.memory_space<vmem>>
    %dma_wait3A_369 = arith.constant 0 : i32
    %dma_wait3A_370 = arith.constant 0 : i32
    %dma_wait3A_371 = arith.constant 0 : i32
    %dma_wait3A_372 = tpu.memref_slice %dma_wait3A_368[%dma_wait3A_360, %dma_wait3A_369, %dma_wait3A_370, %dma_wait3A_371] : memref<4x4x8x129xf32, #tpu.memory_space<vmem>> -> memref<1x4x8x128xf32, #tpu.memory_space<vmem>>
    %dma_wait3A_373 = tpu.memref_squeeze %dma_wait3A_372 : memref<1x4x8x128xf32, #tpu.memory_space<vmem>> -> memref<4x8x128xf32, #tpu.memory_space<vmem>>
    %dma_wait3A_374 = arith.constant 0 : i32
    %dma_wait3A_375 = arith.constant 0 : i32
    %dma_wait3A_376 = arith.constant 0 : i32
    %dma_wait3A_377 = tpu.memref_slice %arg4[%dma_wait3A_361, %dma_wait3A_362, %dma_wait3A_374, %dma_wait3A_375, %dma_wait3A_376] : memref<50x4x128x8x128xf32, #tpu.memory_space<hbm>> -> memref<1x1x4x8x128xf32, #tpu.memory_space<hbm>>
    %dma_wait3A_378 = tpu.memref_squeeze %dma_wait3A_377 : memref<1x1x4x8x128xf32, #tpu.memory_space<hbm>> -> memref<4x8x128xf32, #tpu.memory_space<hbm>>
    %dma_wait3A_379 = arith.constant 0 : i32
    %dma_wait3A_380 = arith.constant 0 : i32
    %dma_wait3A_381 = arith.constant 0 : i32
    %dma_wait3A_382 = tpu.memref_slice %arg4[%dma_wait3A_361, %dma_wait3A_362, %dma_wait3A_379, %dma_wait3A_380, %dma_wait3A_381] : memref<50x4x128x8x128xf32, #tpu.memory_space<hbm>> -> memref<1x1x4x8x128xf32, #tpu.memory_space<hbm>>
    %dma_wait3A_383 = tpu.memref_squeeze %dma_wait3A_382 : memref<1x1x4x8x128xf32, #tpu.memory_space<hbm>> -> memref<4x8x128xf32, #tpu.memory_space<hbm>>
    %dma_wait3A_384 = arith.constant 0 : i32
    %dma_wait3A_385 = arith.constant 0 : i32
    %dma_wait3A_386 = arith.constant 0 : i32
    %dma_wait3A_387 = arith.constant 0 : i32
    %dma_wait3A_388 = tpu.memref_slice %arg7[%dma_wait3A_359, %dma_wait3A_384, %dma_wait3A_385, %dma_wait3A_386, %dma_wait3A_387] : memref<2x4x4x8x129xf32, #tpu.memory_space<vmem>> -> memref<1x4x4x8x129xf32, #tpu.memory_space<vmem>>
    %dma_wait3A_389 = tpu.memref_squeeze %dma_wait3A_388 : memref<1x4x4x8x129xf32, #tpu.memory_space<vmem>> -> memref<4x4x8x129xf32, #tpu.memory_space<vmem>>
    %dma_wait3A_390 = arith.constant 0 : i32
    %dma_wait3A_391 = arith.constant 0 : i32
    %dma_wait3A_392 = arith.constant 0 : i32
    %dma_wait3A_393 = tpu.memref_slice %dma_wait3A_389[%dma_wait3A_360, %dma_wait3A_390, %dma_wait3A_391, %dma_wait3A_392] : memref<4x4x8x129xf32, #tpu.memory_space<vmem>> -> memref<1x4x8x128xf32, #tpu.memory_space<vmem>>
    %dma_wait3A_394 = tpu.memref_squeeze %dma_wait3A_393 : memref<1x4x8x128xf32, #tpu.memory_space<vmem>> -> memref<4x8x128xf32, #tpu.memory_space<vmem>>
    tpu.wait_dma2 semaphore(%arg9 : memref<!tpu.dma_semaphore, #tpu.memory_space<semaphore_mem>>) src(%dma_wait3A_394 : memref<4x8x128xf32, #tpu.memory_space<vmem>>) dst(%dma_wait3A_383 : memref<4x8x128xf32, #tpu.memory_space<hbm>>)
    %dma_wait3A_395 = arith.constant 1 : i32
    %dma_wait3A_396 = arith.constant 3 : i32
    %dma_wait3A_397 = arith.constant 0 : i32
    %dma_wait3A_398 = arith.constant 3 : i32
    %dma_wait3A_399 = arith.constant 0 : i32
    %dma_wait3A_400 = arith.constant 0 : i32
    %dma_wait3A_401 = arith.constant 0 : i32
    %dma_wait3A_402 = arith.constant 0 : i32
    %dma_wait3A_403 = tpu.memref_slice %arg7[%dma_wait3A_395, %dma_wait3A_399, %dma_wait3A_400, %dma_wait3A_401, %dma_wait3A_402] : memref<2x4x4x8x129xf32, #tpu.memory_space<vmem>> -> memref<1x4x4x8x129xf32, #tpu.memory_space<vmem>>
    %dma_wait3A_404 = tpu.memref_squeeze %dma_wait3A_403 : memref<1x4x4x8x129xf32, #tpu.memory_space<vmem>> -> memref<4x4x8x129xf32, #tpu.memory_space<vmem>>
    %dma_wait3A_405 = arith.constant 0 : i32
    %dma_wait3A_406 = arith.constant 0 : i32
    %dma_wait3A_407 = arith.constant 0 : i32
    %dma_wait3A_408 = tpu.memref_slice %dma_wait3A_404[%dma_wait3A_396, %dma_wait3A_405, %dma_wait3A_406, %dma_wait3A_407] : memref<4x4x8x129xf32, #tpu.memory_space<vmem>> -> memref<1x4x8x128xf32, #tpu.memory_space<vmem>>
    %dma_wait3A_409 = tpu.memref_squeeze %dma_wait3A_408 : memref<1x4x8x128xf32, #tpu.memory_space<vmem>> -> memref<4x8x128xf32, #tpu.memory_space<vmem>>
    %dma_wait3A_410 = arith.constant 0 : i32
    %dma_wait3A_411 = arith.constant 0 : i32
    %dma_wait3A_412 = arith.constant 0 : i32
    %dma_wait3A_413 = tpu.memref_slice %arg4[%dma_wait3A_397, %dma_wait3A_398, %dma_wait3A_410, %dma_wait3A_411, %dma_wait3A_412] : memref<50x4x128x8x128xf32, #tpu.memory_space<hbm>> -> memref<1x1x4x8x128xf32, #tpu.memory_space<hbm>>
    %dma_wait3A_414 = tpu.memref_squeeze %dma_wait3A_413 : memref<1x1x4x8x128xf32, #tpu.memory_space<hbm>> -> memref<4x8x128xf32, #tpu.memory_space<hbm>>
    %dma_wait3A_415 = arith.constant 0 : i32
    %dma_wait3A_416 = arith.constant 0 : i32
    %dma_wait3A_417 = arith.constant 0 : i32
    %dma_wait3A_418 = tpu.memref_slice %arg4[%dma_wait3A_397, %dma_wait3A_398, %dma_wait3A_415, %dma_wait3A_416, %dma_wait3A_417] : memref<50x4x128x8x128xf32, #tpu.memory_space<hbm>> -> memref<1x1x4x8x128xf32, #tpu.memory_space<hbm>>
    %dma_wait3A_419 = tpu.memref_squeeze %dma_wait3A_418 : memref<1x1x4x8x128xf32, #tpu.memory_space<hbm>> -> memref<4x8x128xf32, #tpu.memory_space<hbm>>
    %dma_wait3A_420 = arith.constant 0 : i32
    %dma_wait3A_421 = arith.constant 0 : i32
    %dma_wait3A_422 = arith.constant 0 : i32
    %dma_wait3A_423 = arith.constant 0 : i32
    %dma_wait3A_424 = tpu.memref_slice %arg7[%dma_wait3A_395, %dma_wait3A_420, %dma_wait3A_421, %dma_wait3A_422, %dma_wait3A_423] : memref<2x4x4x8x129xf32, #tpu.memory_space<vmem>> -> memref<1x4x4x8x129xf32, #tpu.memory_space<vmem>>
    %dma_wait3A_425 = tpu.memref_squeeze %dma_wait3A_424 : memref<1x4x4x8x129xf32, #tpu.memory_space<vmem>> -> memref<4x4x8x129xf32, #tpu.memory_space<vmem>>
    %dma_wait3A_426 = arith.constant 0 : i32
    %dma_wait3A_427 = arith.constant 0 : i32
    %dma_wait3A_428 = arith.constant 0 : i32
    %dma_wait3A_429 = tpu.memref_slice %dma_wait3A_425[%dma_wait3A_396, %dma_wait3A_426, %dma_wait3A_427, %dma_wait3A_428] : memref<4x4x8x129xf32, #tpu.memory_space<vmem>> -> memref<1x4x8x128xf32, #tpu.memory_space<vmem>>
    %dma_wait3A_430 = tpu.memref_squeeze %dma_wait3A_429 : memref<1x4x8x128xf32, #tpu.memory_space<vmem>> -> memref<4x8x128xf32, #tpu.memory_space<vmem>>
    tpu.wait_dma2 semaphore(%arg9 : memref<!tpu.dma_semaphore, #tpu.memory_space<semaphore_mem>>) src(%dma_wait3A_430 : memref<4x8x128xf32, #tpu.memory_space<vmem>>) dst(%dma_wait3A_419 : memref<4x8x128xf32, #tpu.memory_space<hbm>>)
    return
  }
}

</mosaic_0001>

<sc_bundles>
// kernel: kernel.3.cloned.1.call-start
scs
__scs_entry_jumppad:
0x0: {  	(pc) =	sbr.rel $0x88, $3  }
0x1: {  	(tag) =	ssettag $0x0;
	lr =	simm.s32 $0x1  }
0x2: {  	[smem:$0x3F9F] =	sst lr;
	_ =	strace $0xD0000000  }
0x3: {  	_ = 	snop  }
0x4: {  	_ = 	snop  }
0x5: {  	_ = 	snop  }
0x6: {  	_ = 	snop  }
0x7: {  	_ = 	snop  }
__scs_overlays_trampoline_lowered:
0x8: {  	[smem:$0x3FAE] =	sst s0  }
0x9: {  	[smem:$0x3FAF] =	sst s1  }
0xa: {  	[smem:$0x3FB0] =	sst s2  }
0xb: {  	[smem:$0x3FB1] =	sst s3  }
0xc: {  	[smem:$0x3FB2] =	sst s4  }
0xd: {  	[smem:$0x3FB3] =	sst s5  }
0xe: {  	[smem:$0x3FB4] =	sst s6  }
0xf: {  	[smem:$0x3FB5] =	sst s7  }
0x10: {  	[smem:$0x3FB6] =	sst s8  }
0x11: {  	[smem:$0x3FB7] =	sst s9;
	s0 =	simm.s32 @!p0 $0x0  }
0x12: {  	s1 =	sld [smem:$0x3F9D];
	s0 =	simm.s32 @p0 $0x1  }
0x13: {  	[smem:$0x3FB8] =	sst s0;
	s0 =	simm.s32 @!p1 $0x0  }
0x14: {  	s2 =	sld [smem:$0x3F9C];
	s0 =	simm.s32 @p1 $0x1  }
0x15: {  	[smem:$0x3FB9] =	sst s0;
	s0 =	simm.s32 @!p2 $0x0  }
0x16: {  	s3 =	sld [smem:$0x3FDB];
	s0 =	simm.s32 @p2 $0x1  }
0x17: {  	s4 =	simm.s32 $0x1BF5;
	[smem:$0x3FBB] =	sst s0  }
0x18: {  	s0 =	sld [smem:$0x3F9E];
	_ =	swait.ge [sflag:s4], $0x0  }
0x19: {  	s7 =	sld [smem:$0x3F9F]  }
0x1a: {  	s8 =	sadd.s32 $0xFFFFE003, lr  }
0x1b: {  	s9 =	sadd.s32 $0xFFFFFEF7, lr;
	s5 =	simm.s32 $0xFFFFFFFF;
	p2 =	slt.u32 s8, $0xFFFFF086  }
0x1c: {  	p1 =	slt.u32 s9, $0xF7A;
	s5 =	simm.s32 @!p2 $0x0  }
0x1d: {  	s5 =	simm.s32 @p1 $0x1;
	p0 =	seq.s32 s7, s2  }
0x1e: {  	s7 =	smul.u32 @!p0 $0xF7A, s2;
	p2 =	seq.s32 @!p0 s5, $0x0  }
0x1f: {  	s9 =	smul.u32 $0xF7A, s1;
	s8 =	simm.s32 @!p0 $0x1BF5;
	p2 =	por !p2, p0  }
0x20: {  	[sflag:s8] =	ssyncset.s32 @!p0 $0xFFFFF086;
	s6 =	sadd.s32 @!p0 s3, s7;
	s7 =	simm.s32 @!p0 $0x108  }
0x21: {  	s3 =	sadd.s32 s3, s9;
	s6 =	sadd.s32 @!p0 $0x88, s6;
	s7 =	simm.s32 @p2 $0x1082  }
0x22: {  	[simem:s7], [sflag:s8] =	dma.local @!p0 [hbm:s6], $0xF7A  }
0x23: {  	s9 =	sor.u32 $0xD0000000, s2;
	s6 =	simm.s32 $0x108;
	_ =	swait.ge @!p0 [sflag:s8], $0x0  }
0x24: {  	s3 =	sadd.s32 $0x88, s3;
	s6 =	simm.s32 @!p1 $0x1082;
	[sflag:s4] =	ssyncset.s32 $0xFFFFF086  }
0x25: {  	[simem:s6], [sflag:s4] =	dma.local [hbm:s3], $0xF7A  }
0x26: {  	[smem:$0x3F9F] =	sst s1;
	(tag) =	ssettag s2;
	_ =	strace s9  }
0x27: {  	s1 =	sld [smem:$0x3FAF]  }
0x28: {  	s2 =	sld [smem:$0x3FB0]  }
0x29: {  	s4 =	sld [smem:$0x3FB2]  }
0x2a: {  	p0 =	seq.s32 s5, $0x0;
	s5 =	sld [smem:$0x3FB3]  }
0x2b: {  	s6 =	sld [smem:$0x3FB4]  }
0x2c: {  	s7 =	sld [smem:$0x3FB5]  }
0x2d: {  	s3 =	simm.s32 $0x108;
	s8 =	sld [smem:$0x3FB6]  }
0x2e: {  	s3 =	simm.s32 @!p0 $0x1082;
	s9 =	sld [smem:$0x3FB7]  }
0x2f: {  	lr =	sadd.s32 s0, s3;
	s0 =	sld [smem:$0x3FAE]  }
0x30: {  	s3 =	sld [smem:$0x3FB1]  }
0x31: {  	[smem:$0x3FBA] =	sst s10  }
0x32: {  	s10 =	sld [smem:$0x3FB8];
	_ =	sdelay $0x3  }
0x33: {  	p0 =	seq.s32 s10, $0x1;
	s10 =	sld [smem:$0x3FBA];
	_ =	sdelay $0x3  }
0x34: {  	[smem:$0x3FBA] =	sst s10  }
0x35: {  	s10 =	sld [smem:$0x3FB9];
	_ =	sdelay $0x3  }
0x36: {  	p1 =	seq.s32 s10, $0x1;
	s10 =	sld [smem:$0x3FBA];
	_ =	sdelay $0x3  }
0x37: {  	[smem:$0x3FBA] =	sst s10  }
0x38: {  	s10 =	sld [smem:$0x3FBB]  }
0x39: {  	_ = 	snop;
	(pc) =	sbr.ind lr, $3  }
0x3a: {  	_ = 	snop  }
0x3b: {  	_ = 	snop  }
0x3c: {  	p2 =	seq.s32 s10, $0x1;
	s10 =	sld [smem:$0x3FBA]  }
0x3d: {  	_ =	shalt  }
0x3e: {  	_ =	shalt  }
0x3f: {  	_ =	shalt  }
0x40: {  	_ =	shalt  }
0x41: {  	_ =	shalt  }
0x42: {  	_ =	shalt  }
0x43: {  	_ =	shalt  }
0x44: {  	_ =	shalt  }
0x45: {  	_ =	shalt  }
0x46: {  	_ =	shalt  }
0x47: {  	_ =	shalt  }
0x48: {  	_ =	shalt  }
0x49: {  	_ =	shalt  }
0x4a: {  	_ =	shalt  }
0x4b: {  	_ =	shalt  }
0x4c: {  	_ =	shalt  }
0x4d: {  	_ =	shalt  }
0x4e: {  	_ =	shalt  }
0x4f: {  	_ =	shalt  }
0x50: {  	_ =	shalt  }
0x51: {  	_ =	shalt  }
0x52: {  	_ =	shalt  }
0x53: {  	_ =	shalt  }
0x54: {  	_ =	shalt  }
0x55: {  	_ =	shalt  }
0x56: {  	_ =	shalt  }
0x57: {  	_ =	shalt  }
0x58: {  	_ =	shalt  }
0x59: {  	_ =	shalt  }
0x5a: {  	_ =	shalt  }
0x5b: {  	_ =	shalt  }
0x5c: {  	_ =	shalt  }
0x5d: {  	_ =	shalt  }
0x5e: {  	_ =	shalt  }
0x5f: {  	_ =	shalt  }
0x60: {  	_ =	shalt  }
0x61: {  	_ =	shalt  }
0x62: {  	_ =	shalt  }
0x63: {  	_ =	shalt  }
0x64: {  	_ =	shalt  }
0x65: {  	_ =	shalt  }
0x66: {  	_ =	shalt  }
0x67: {  	_ =	shalt  }
0x68: {  	_ =	shalt  }
0x69: {  	_ =	shalt  }
0x6a: {  	_ =	shalt  }
0x6b: {  	_ =	shalt  }
0x6c: {  	_ =	shalt  }
0x6d: {  	_ =	shalt  }
0x6e: {  	_ =	shalt  }
0x6f: {  	_ =	shalt  }
0x70: {  	_ =	shalt  }
0x71: {  	_ =	shalt  }
0x72: {  	_ =	shalt  }
0x73: {  	_ =	shalt  }
0x74: {  	_ =	shalt  }
0x75: {  	_ =	shalt  }
0x76: {  	_ =	shalt  }
0x77: {  	_ =	shalt  }
0x78: {  	_ =	shalt  }
0x79: {  	_ =	shalt  }
0x7a: {  	_ =	shalt  }
0x7b: {  	_ =	shalt  }
0x7c: {  	_ =	shalt  }
0x7d: {  	_ =	shalt  }
0x7e: {  	_ =	shalt  }
0x7f: {  	_ =	shalt  }
0x80: {  	_ =	shalt  }
0x81: {  	_ =	shalt  }
0x82: {  	_ =	shalt  }
0x83: {  	_ =	shalt  }
0x84: {  	_ =	shalt  }
0x85: {  	_ =	shalt  }
0x86: {  	_ =	shalt  }
0x87: {  	_ =	shalt  }
.Lfunc_end0:
.L_simem_size_0:
called_computation.1_lowered:
.L_overlay_start_0:
0x88: {  	s2 =	sld [smem:$0x3FD9]  }
0x89: {  	s3 =	sld [smem:$0x3FFE];
	_ =	sdelay $0x1  }
0x8a: {  	s1 =	srdreg.scid  }
0x8b: {  	s0 =	sand.u32 $0x1, s1  }
0x8c: {  	s17 =	sshll.u32 s0, $0xA;
	s2 =	sadd.s32 s3, s2  }
0x8d: {  	s2 =	sadd.s32 s2, s17  }
0x8e: {  	[smem:$0x3FC6] =	sst s2  }
0x8f: {  	_ = 	snop  }
0x90: {  	s2 =	sld [smem:$0x3FD0];
	(tm) =	ssettm $0x1  }
0x91: {  	s18 =	sld [smem:$0x3FFB];
	_ =	sdelay $0x3  }
0x92: {  	_ =	strace s18  }
0x93: {  	s3 =	sld [smem:$0x3FFC];
	_ =	sdelay $0x3  }
0x94: {  	_ =	strace s3  }
0x95: {  	s3 =	sld [smem:$0x3FFD];
	_ =	sdelay $0x3  }
0x96: {  	_ =	strace s3  }
0x97: {  	_ =	strace $0x8FFFFFFF  }
0x98: {  	s19 =	sld [smem:$0x3FDB];
	_ =	sdelay $0x1  }
0x99: {  	s4 =	simm.s32 $_scs_section_size  }
0x9a: {  	s5 =	simm.s32 $_size__tile_overlayer_lowered;
	s6 =	simm.s32 $_tile_overlayer_lowered  }
0x9b: {  	s22 =	simm.s32 $0x1BFF;
	s21 =	sshll.u32 s6, $0x1;
	s3 =	sadd.s32 s4, s19  }
0x9c: {  	s7 =	simm.s32 $0x0;
	s20 =	sshll.u32 s5, $0x1;
	s5 =	sadd.s32 s21, s3  }
0x9d: {  	[timem:s7], [sflag:s22] =	dma.local [hbm:s5], s20  }
0x9e: {  	_ =	swait.ge [sflag:s22], s20  }
0x9f: {  	s4 =	ssub.s32 $0x0, s20;
	[sflag:s22] =	ssyncset.done $0x0  }
0xa0: {  	[sflag:s22] =	ssyncadd.s32 s4;
	_ =	sdelay $0x1  }
0xa1: {  	s23 =	simm.s32 $0x1B8B  }
0xa2: {  	_ =	swait.ge [sflag:s23], $0x1  }
0xa3: {  	[sflag:s23] =	ssyncset.done $0x0  }
0xa4: {  	s25 =	simm.s32 $0x1B8E;
	s24 =	sld [smem:$0x3FFE];
	[sflag:s23] =	ssyncadd.s32 $0xFFFFFFFF  }
0xa5: {  	s26 =	simm.s32 $execute0_lowered;
	[smem:$0x3FD2] =	sst s25  }
0xa6: {  	s5 =	sshll.u32 s26, $0x1;
	_ =	strace $0x80000049;
	[dreg:$0x1] =	wrdreg $0xFFFFFFFF  }
0xa7: {  	s28 =	simm.s32 $_size_execute0_lowered;
	s3 =	sadd.s32 s3, s5;
	[dreg:$0x0] =	wrdreg $0x0  }
0xa8: {  	s5 =	sshll.u32 s28, $0x1;
	[dreg:$0x2] =	wrdreg s3  }
0xa9: {  	[dreg:$0x3] =	wrdreg s5  }
0xaa: {  	[dreg:$0x4] =	wrdreg $0xC0  }
0xab: {  	_ =	task [dreg:s7], $0x5FFFF  }
0xac: {  	[dreg:$0x1] =	wrdreg $0xFFFFFFFF  }
0xad: {  	[dreg:$0x0] =	wrdreg $0x60  }
0xae: {  	[dreg:$0x2] =	wrdreg s24  }
0xaf: {  	[dreg:$0x3] =	wrdreg s2  }
0xb0: {  	[dreg:$0x4] =	wrdreg $0x9  }
0xb1: {  	_ =	task.clear_ibuf [dreg:s7], $0x5FFFF;
	_ =	strace $0x90000049  }
0xb2: {  	s29 =	simm.s32 $0x9;
	_ =	strace $0x8000004B  }
0xb3: {  	_ =	swait.ge [sflag:s29], $0x1  }
0xb4: {  	[sflag:s29] =	ssyncadd.s32 $0xFFFFFFFF  }
0xb5: {  	_ =	strace $0x9000004B  }
0xb6: {  	_ =	sfence  }
0xb7: {  	s30 =	sld [smem:$0x0];
	_ =	sdelay $0x2  }
0xb8: {  	s31 =	sshll.u32 s1, $0xD;
	s1 =	sshrl.u32 s1, $0x2  }
0xb9: {  	s3 =	sand.u32 $0x4000, s31;
	s1 =	sadd.s32 s1, s30  }
0xba: {  	s0 =	sor.u32 s3, s0;
	s1 =	sshll.u32 s1, $0x11  }
0xbb: {  	s0 =	sor.u32 s1, s0  }
0xbc: {  	s0 =	sadd.s32 $0x8F2B, s0  }
0xbd: {  	[sflag:s0] =	ssyncadd.remote.s32 $0x1  }
0xbe: {  	_ =	sfence.sel $0xFFFF  }
0xbf: {  	[dreg:$0x0] =	wrdreg $0xFFFFFFFF;
	(pc) =	sbr.abs _section_cstart, $3  }
0xc0: {  	[dreg:$0x1] =	wrdreg $0xFFFFFFFF  }
0xc1: {  	_ =	task.clear_ibuf [dreg:s7], $0x2FFFF;
	_ =	strace $0x9FFFFFFF  }
0xc2: {  	(tm) =	ssettm $0x7FFFFFFF  }
0xc3: {  	_ =	shalt  }
tec
execute0_lowered:
.L_overlay_start_1:
0x0: {  	(tag) =	ssettag $0x1  }
0x1: {  	v0 =	vimm.s32 $0x14B8;
	vm0 =	vcmask $0x300;
	v1 =	vimm.s32 $0x36B8  }
0x2: {  	vm1 =	vcmask $0x704;
	v0 =	vsel vm0, $0x0, v0;
	v1 =	vsel vm0, $0x2200, v1  }
0x3: {  	vm15 =	vcmask $0xB08;
	v0 =	vsel vm1, $0x88, v0;
	v1 =	vsel vm1, $0x2288, v1  }
0x4: {  	vm4 =	vcmask $0xF0C;
	v0 =	vsel vm15, $0x110, v0;
	v1 =	vsel vm15, $0x2310, v1  }
0x5: {  	vm5 =	vcmask $0x1310;
	v0 =	vsel vm4, $0x198, v0;
	v1 =	vsel vm4, $0x2398, v1  }
0x6: {  	s0 =	rddreg [dreg:$0x0];
	vm6 =	vcmask $0x1714;
	v0 =	vsel vm5, $0x220, v0;
	v1 =	vsel vm5, $0x2420, v1  }
0x7: {  	s1 =	srdreg.scid;
	s3 =	stileid.u32;
	vm7 =	vcmask $0x1B18;
	v0 =	vsel vm6, $0x2A8, v0;
	v1 =	vsel vm6, $0x24A8, v1  }
0x8: {  	s2 =	rddreg [dreg:$0x1];
	vm8 =	vcmask $0x1F1C;
	s11 =	simm.s32 $0x3;
	s12 =	simm.s32 $0x80;
	v0 =	vsel vm7, $0x330, v0;
	v1 =	vsel vm7, $0x2530, v1  }
0x9: {  	vm9 =	vcmask $0x2320;
	s17 =	simm.s32 $0x180;
	s18 =	simm.s32 $0x9400;
	s19 =	simm.s32 $0x1;
	v0 =	vsel vm8, $0x3B8, v0;
	v1 =	vsel vm8, $0x25B8, v1  }
0xa: {  	vm10 =	vcmask $0x2724;
	s20 =	simm.s32 $0x2;
	s21 =	simm.s32 $0x0;
	s31 =	simm.s32 $0x0;
	v0 =	vsel vm9, $0x1100, v0;
	v1 =	vsel vm9, $0x3300, v1  }
0xb: {  	vm11 =	vcmask $0x2B28;
	s1 =	sand.u32 $0x1, s1;
	s4 =	sshll.u32 s3, $0x1;
	s3 =	simm.s32 $0x0;
	v0 =	vsel vm10, $0x1188, v0;
	v1 =	vsel vm10, $0x3388, v1  }
0xc: {  	vm12 =	vcmask $0x2F2C;
	s7 =	sadd.s32 $0x4000, s2;
	s8 =	sadd.s32 $0x8000, s2;
	s5 =	sor.u32 s1, s4;
	v0 =	vsel vm11, $0x1210, v0;
	v1 =	vsel vm11, $0x3410, v1  }
0xd: {  	vm13 =	vcmask $0x3330;
	[smem:$0x7FF] =	sst s3;
	s1 =	ssub.s32 $0x2, s1;
	s4 =	smul.u32 $0xC80, s5;
	v0 =	vsel vm12, $0x1298, v0;
	v1 =	vsel vm12, $0x3498, v1  }
0xe: {  	vm14 =	vcmask $0x3734;
	s9 =	sadd.s32 $0xC000, s2;
	_ =	strace $0x8000004A;
	s30 =	sshrl.u32 s1, $0x1;
	v0 =	vsel vm13, $0x1320, v0;
	v1 =	vsel vm13, $0x3520, v1  }
0xf: {  	vm15 =	vcmask $0x3B38;
	s6 =	sadd.s32 s4, s0;
	s4 =	sadd.s32 $0xF5BE00, s0;
	s0 =	ssub.s32 s1, s30;
	v0 =	vsel vm14, $0x13A8, v0;
	v1 =	vsel vm14, $0x35A8, v1  }
0x10: {  	s5 =	smul.u32 $0xC8, s5;
	s6 =	sadd.s32 $0xF42E00, s6;
	s10 =	smax.u32 s0, $0x1;
	v0 =	vsel vm15, $0x1430, v0;
	v1 =	vsel vm15, $0x3630, v1  }
.LBB2_1:
0x11: {  	[tilespmem:s3], [sflag:$0x3] =	stream.linear.gather [hbm4b:s6+s3], $0x6400, $0x38;
	[tilespmem:$0x16C00] =	vst v63  }
0x12: {  	_ =	swait.ge [sflag:s11], $0x6400  }
0x13: {  	[sflag:s11] =	ssyncset.done $0x0  }
0x14: {  	s0 =	simm.s32 $0x6400;
	[sflag:s11] =	ssyncadd.s32 $0xFFFF9C00  }
0x15: {  	[tilespmem:s0], [sflag:$0x1] =	stream.indirect.gather [hbm4b:s4+s12], $0x20, s3, s12, $0xb8;
	[tilespmem:$0x16C00] =	vst v63  }
0x16: {  	s29 =	simm.s32 $0x7400  }
0x17: {  	[tilespmem:s29], [sflag:$0x1] =	stream.indirect.gather [hbm4b:s4+s12], $0x20, s12, s12, $0xb8;
	[tilespmem:$0x16C00] =	vst v63  }
0x18: {  	s30 =	simm.s32 $0x100;
	s1 =	simm.s32 $0x8400  }
0x19: {  	[tilespmem:s1], [sflag:$0x1] =	stream.indirect.gather [hbm4b:s4+s12], $0x20, s30, s12, $0xb8;
	[tilespmem:$0x16C00] =	vst v63  }
0x1a: {  	p0 =	por $0x0, $0x0;
	s25 =	simm.s32 $0x0  }
0x1b: {  	[tilespmem:s18], [sflag:$0x1] =	stream.indirect.gather [hbm4b:s4+s12], $0x20, s17, s12, $0xb8;
	[tilespmem:$0x16C00] =	vst v63  }
.LBB2_3:
0x1c: {  	_ =	swait.ge [sflag:s19], $0x1000  }
0x1d: {  	[sflag:s19] =	ssyncset.done $0x0  }
0x1e: {  	[sflag:s19] =	ssyncadd.s32 $0xFFFFF000  }
0x1f: {  	_ =	swait.ge [sflag:s19], $0x1000  }
0x20: {  	[sflag:s19] =	ssyncset.done $0x0  }
0x21: {  	[sflag:s19] =	ssyncadd.s32 $0xFFFFF000  }
0x22: {  	_ =	swait.ge [sflag:s19], $0x1000  }
0x23: {  	s1 =	sand.u32 $0x1, s25;
	p1 =	seq.s32 s25, $0x31;
	[sflag:s19] =	ssyncset.done $0x0  }
0x24: {  	s22 =	sadd.s32 $0x1, s25;
	s0 =	sshll.u32 @!p1 s1, $0xE;
	[sflag:s19] =	ssyncadd.s32 $0xFFFFF000  }
0x25: {  	s14 =	sshll.u32 @!p1 s22, $0x9;
	s24 =	simm.s32 @!p1 $0x80;
	_ =	swait.ge [sflag:s19], $0x1000  }
0x26: {  	p2 =	slt.u32 @!p1 s25, $0x2;
	s13 =	sxor.u32 @!p1 $0x4000, s0;
	[sflag:s19] =	ssyncset.done $0x0  }
0x27: {  	s14 =	sand.u32 @!p1 $0x3FFFFE00, s14;
	s23 =	sadd.s32 @!p1 $0x6400, s13;
	[sflag:s19] =	ssyncadd.s32 $0xFFFFF000  }
0x28: {  	[tilespmem:s23], [sflag:$0x1] =	stream.indirect.gather @!p1 [hbm4b:s4+s24], $0x20, s14, s24, $0xb8;
	[tilespmem:$0x16C00] =	vst v63  }
0x29: {  	p2 =	por p1, !p2;
	s26 =	sor.u32 @!p1 $0x80, s14;
	s23 =	sadd.s32 @!p1 $0x7400, s13  }
0x2a: {  	[tilespmem:s23], [sflag:$0x1] =	stream.indirect.gather @!p1 [hbm4b:s4+s24], $0x20, s26, s24, $0xb8;
	[tilespmem:$0x16C00] =	vst v63  }
.Ltmp0:
0x2b: {  	_ = 	snop;
	(pc) =	sbr.rel @!p2 .LBB2_5-.Ltmp0, $4  }
0x2c: {  	s23 =	sor.u32 @!p1 $0x8400, s13;
	s26 =	sor.u32 @!p1 $0x100, s14  }
0x2d: {  	[tilespmem:s23], [sflag:$0x1] =	stream.indirect.gather @!p1 [hbm4b:s4+s24], $0x20, s26, s24, $0xb8;
	[tilespmem:$0x16C00] =	vst v63  }
0x2e: {  	s13 =	sor.u32 @!p1 $0x9400, s13;
	s14 =	sor.u32 @!p1 $0x180, s14  }
0x2f: {  	[tilespmem:s13], [sflag:$0x1] =	stream.indirect.gather @!p1 [hbm4b:s4+s24], $0x20, s14, s24, $0xb8;
	[tilespmem:$0x16C00] =	vst v63  }
0x30: {  	_ =	swait.ge [sflag:s20], $0x1000  }
0x31: {  	[sflag:s20] =	ssyncset.done $0x0  }
0x32: {  	[sflag:s20] =	ssyncadd.s32 $0xFFFFF000  }
0x33: {  	_ =	swait.ge [sflag:s20], $0x1000  }
0x34: {  	[sflag:s20] =	ssyncset.done $0x0  }
0x35: {  	[sflag:s20] =	ssyncadd.s32 $0xFFFFF000  }
0x36: {  	_ =	swait.ge [sflag:s20], $0x1000  }
0x37: {  	[sflag:s20] =	ssyncset.done $0x0  }
0x38: {  	[sflag:s20] =	ssyncadd.s32 $0xFFFFF000  }
0x39: {  	_ =	swait.ge [sflag:s20], $0x1000  }
0x3a: {  	[sflag:s20] =	ssyncset.done $0x0  }
0x3b: {  	s0 =	simm.s32 @p1 $0x4000;
	[sflag:s20] =	ssyncadd.s32 $0xFFFFF000  }
.LBB2_5:
0x3c: {  	s13 =	simm.s32 $0x1  }
0x3d: {  	s1 =	smul.u32 $0x11000, s1;
	s13 =	simm.s32 @!p0 $0x0  }
0x3e: {  	s13 =	smul.u32 $0x11000, s13;
	_ =	sdelay $0x1  }
0x3f: {  	s14 =	sadd.s32 $0x6440, s0;
	s1 =	sshrl.u32 s1, $0x2;
	s13 =	sshrl.u32 s13, $0x2  }
0x40: {  	s29 =	sadd.s32 $0xE400, s1;
	s1 =	simm.s32 $0x0;
	s23 =	sadd.s32 $0x11700, s13  }
0x41: {  	s24 =	sadd.s32 $0x10600, s13;
	s26 =	sadd.s32 $0xF500, s13;
	s28 =	sadd.s32 $0xE400, s13  }
.LBB2_6:
0x42: {  	v2 =	vmov s1  }
0x43: {  	v2 =	vmul.u32 $0x440, v2;
	_ =	sdelay $0x1  }
0x44: {  	v3 =	vbroadcast v2, $0x0  }
0x45: {  	v4 =	vmov s31  }
0x46: {  	v5 =	vand.u32 $0x78, v4;
	v2 =	vadd.s32 v0, v3  }
0x47: {  	v4 =	vand.u32 $0x4, v4;
	v3 =	vadd.s32 v1, v3;
	v6 =	vadd.s32 v2, v5  }
0x48: {  	v7 =	vld [tilespmem:s14+$0xFFFFFFC0];
	v5 =	vadd.s32 v3, v5;
	v6 =	vor.u32 v4, v6  }
0x49: {  	v8 =	vld [tilespmem:s14+$0xFFFFFFD0];
	v4 =	vor.u32 v4, v5;
	_ =	sdelay $0x1  }
0x4a: {  	s0 =	simm.s32 $0x1  }
0x4b: {  	v5 =	vmov s0  }
0x4c: {  	[tilespmem:v6+s29+$0x0] =	vst.idx.msk $0xffff, v7;
	v6 =	vand.u32 $0x78, v5  }
0x4d: {  	[tilespmem:v4+s29+$0x0] =	vst.idx.msk $0xffff, v8;
	v4 =	vand.u32 $0x5, v5;
	v5 =	vadd.s32 v2, v6  }
0x4e: {  	v6 =	vadd.s32 v3, v6;
	v7 =	vld [tilespmem:s14+$0xFFFFFFE0];
	v5 =	vor.u32 v4, v5  }
0x4f: {  	v4 =	vor.u32 v4, v6;
	v6 =	vld [tilespmem:s14+$0xFFFFFFF0];
	_ =	sdelay $0x1  }
0x50: {  	s15 =	simm.s32 $0x2  }
0x51: {  	v8 =	vmov s15  }
0x52: {  	[tilespmem:v5+s29+$0x0] =	vst.idx.msk $0xffff, v7;
	v5 =	vand.u32 $0x78, v8  }
0x53: {  	[tilespmem:v4+s29+$0x0] =	vst.idx.msk $0xffff, v6;
	v4 =	vand.u32 $0x6, v8;
	v6 =	vadd.s32 v2, v5  }
0x54: {  	v5 =	vadd.s32 v3, v5;
	v7 =	vld [tilespmem:s14+$0x0];
	v6 =	vor.u32 v4, v6  }
0x55: {  	v4 =	vor.u32 v4, v5;
	v5 =	vld [tilespmem:s14+$0x10];
	_ =	sdelay $0x1  }
0x56: {  	s16 =	simm.s32 $0x3  }
0x57: {  	v8 =	vmov s16  }
0x58: {  	[tilespmem:v6+s29+$0x0] =	vst.idx.msk $0xffff, v7;
	v6 =	vand.u32 $0x78, v8  }
0x59: {  	[tilespmem:v4+s29+$0x0] =	vst.idx.msk $0xffff, v5;
	v4 =	vand.u32 $0x7, v8;
	v5 =	vadd.s32 v2, v6  }
0x5a: {  	v8 =	vld [tilespmem:s14+$0x20];
	v9 =	vor.u32 v4, v5  }
0x5b: {  	v5 =	vadd.s32 v3, v6  }
0x5c: {  	v6 =	vld [tilespmem:s14+$0x30];
	v7 =	vor.u32 v4, v5  }
0x5d: {  	s0 =	simm.s32 $0x4  }
0x5e: {  	v10 =	vmov s0  }
0x5f: {  	s13 =	simm.s32 $0x8;
	s30 =	smov.u32 s14;
	v5 =	vand.u32 $0x78, v10;
	v4 =	vand.u32 $0x4, v10;
	[tilespmem:v9+s29+$0x0] =	vst.idx.msk $0xffff, v8  }
.LBB2_7:
0x60: {  	p1 =	sne.s32 s13, $0x7C  }
0x61: {  	v8 =	vadd.s32 v2, v5;
	[tilespmem:v7+s29+$0x0] =	vst.idx.msk $0xffff, v6;
	s30 =	sadd.s32 $0x80, s30;
	s15 =	smov.u32 s13;
	s13 =	sadd.s32 $0x4, s13  }
0x62: {  	v5 =	vadd.s32 v3, v5;
	v6 =	vld [tilespmem:s30+$0xFFFFFFC0];
	v7 =	vor.u32 v4, v8  }
0x63: {  	v4 =	vor.u32 v4, v5;
	v8 =	vld [tilespmem:s30+$0xFFFFFFD0];
	_ =	sdelay $0x1  }
0x64: {  	s16 =	sadd.s32 $0x1, s0  }
0x65: {  	v5 =	vmov s16  }
0x66: {  	[tilespmem:v7+s29+$0x0] =	vst.idx.msk $0xffff, v6;
	v6 =	vand.u32 $0x78, v5  }
0x67: {  	[tilespmem:v4+s29+$0x0] =	vst.idx.msk $0xffff, v8;
	v4 =	vand.u32 $0x5, v5;
	v5 =	vadd.s32 v2, v6;
	v6 =	vadd.s32 v3, v6  }
0x68: {  	v7 =	vld [tilespmem:s30+$0xFFFFFFE0];
	v5 =	vor.u32 v4, v5;
	v4 =	vor.u32 v4, v6  }
0x69: {  	v6 =	vld [tilespmem:s30+$0xFFFFFFF0];
	_ =	sdelay $0x1  }
0x6a: {  	s16 =	sadd.s32 $0x2, s0  }
0x6b: {  	v8 =	vmov s16  }
0x6c: {  	[tilespmem:v5+s29+$0x0] =	vst.idx.msk $0xffff, v7;
	v5 =	vand.u32 $0x78, v8  }
0x6d: {  	[tilespmem:v4+s29+$0x0] =	vst.idx.msk $0xffff, v6;
	v4 =	vand.u32 $0x6, v8;
	v6 =	vadd.s32 v2, v5;
	v5 =	vadd.s32 v3, v5  }
0x6e: {  	v7 =	vld [tilespmem:s30+$0x0];
	v6 =	vor.u32 v4, v6;
	v4 =	vor.u32 v4, v5  }
0x6f: {  	v5 =	vld [tilespmem:s30+$0x10];
	_ =	sdelay $0x1  }
0x70: {  	s16 =	sadd.s32 $0x3, s0;
	s0 =	smov.u32 s15  }
0x71: {  	v8 =	vmov s16  }
0x72: {  	[tilespmem:v6+s29+$0x0] =	vst.idx.msk $0xffff, v7;
	v6 =	vand.u32 $0x78, v8  }
0x73: {  	[tilespmem:v4+s29+$0x0] =	vst.idx.msk $0xffff, v5;
	v4 =	vand.u32 $0x7, v8;
	v5 =	vadd.s32 v2, v6;
	v6 =	vadd.s32 v3, v6  }
0x74: {  	v8 =	vld [tilespmem:s30+$0x20];
	v9 =	vor.u32 v4, v5;
	v7 =	vor.u32 v4, v6  }
.Ltmp1:
0x75: {  	v6 =	vld [tilespmem:s30+$0x30];
	(pc) =	sbr.rel @p1 .LBB2_7-.Ltmp1, $3  }
0x76: {  	_ =	sdelay $0x1  }
0x77: {  	v4 =	vmov s0  }
0x78: {  	v5 =	vand.u32 $0x78, v4;
	v4 =	vand.u32 $0x4, v4;
	[tilespmem:v9+s29+$0x0] =	vst.idx.msk $0xffff, v8  }
0x79: {  	_ =	sdelay $0x3  }
0x7a: {  	v8 =	vadd.s32 v2, v5;
	[tilespmem:v7+s29+$0x0] =	vst.idx.msk $0xffff, v6;
	s13 =	sadd.s32 $0x80, s30  }
0x7b: {  	v47 =	vadd.s32 v3, v5;
	v6 =	vld [tilespmem:s13+$0xFFFFFFC0];
	v46 =	vor.u32 v4, v8  }
0x7c: {  	v48 =	vld [tilespmem:s13+$0xFFFFFFD0];
	v49 =	vor.u32 v4, v47;
	_ =	sdelay $0x1  }
0x7d: {  	s15 =	sadd.s32 $0x1, s0  }
0x7e: {  	v50 =	vmov s15  }
0x7f: {  	v51 =	vand.u32 $0x78, v50;
	[tilespmem:v46+s29+$0x0] =	vst.idx.msk $0xffff, v6  }
0x80: {  	v52 =	vand.u32 $0x5, v50;
	v53 =	vadd.s32 v2, v51;
	[tilespmem:v49+s29+$0x0] =	vst.idx.msk $0xffff, v48  }
0x81: {  	v5 =	vor.u32 v52, v53;
	v6 =	vadd.s32 v3, v51;
	v7 =	vld [tilespmem:s13+$0xFFFFFFE0]  }
0x82: {  	v4 =	vor.u32 v52, v6;
	v54 =	vld [tilespmem:s13+$0xFFFFFFF0];
	_ =	sdelay $0x1  }
0x83: {  	s16 =	sadd.s32 $0x2, s0  }
0x84: {  	v55 =	vmov s16  }
0x85: {  	v56 =	vand.u32 $0x78, v55;
	[tilespmem:v5+s29+$0x0] =	vst.idx.msk $0xffff, v7  }
0x86: {  	v57 =	vand.u32 $0x6, v55;
	v58 =	vadd.s32 v2, v56;
	[tilespmem:v4+s29+$0x0] =	vst.idx.msk $0xffff, v54  }
0x87: {  	v6 =	vor.u32 v57, v58;
	v5 =	vadd.s32 v3, v56;
	v7 =	vld [tilespmem:s13+$0x0]  }
0x88: {  	v4 =	vor.u32 v57, v5;
	v59 =	vld [tilespmem:s13+$0x10];
	_ =	sdelay $0x1  }
0x89: {  	s30 =	sadd.s32 $0x3, s0  }
0x8a: {  	v60 =	vmov s30  }
0x8b: {  	v61 =	vand.u32 $0x78, v60;
	[tilespmem:v6+s29+$0x0] =	vst.idx.msk $0xffff, v7  }
0x8c: {  	v62 =	vand.u32 $0x7, v60;
	v2 =	vadd.s32 v2, v61;
	[tilespmem:v4+s29+$0x0] =	vst.idx.msk $0xffff, v59  }
0x8d: {  	s1 =	sadd.s32 $0x1, s1;
	v2 =	vor.u32 v62, v2;
	v3 =	vadd.s32 v3, v61;
	v5 =	vld [tilespmem:s13+$0x20]  }
0x8e: {  	p1 =	sne.s32 s1, $0x4;
	v3 =	vor.u32 v62, v3;
	v63 =	vld [tilespmem:s13+$0x30]  }
.Ltmp2:
0x8f: {  	_ = 	snop;
	(pc) =	sbr.rel @p1 .LBB2_6-.Ltmp2, $3  }
0x90: {  	_ =	sdelay $0x1  }
0x91: {  	[tilespmem:v2+s29+$0x0] =	vst.idx.msk $0xffff, v5  }
0x92: {  	s14 =	sadd.s32 $0x1000, s14;
	[tilespmem:v3+s29+$0x0] =	vst.idx.msk $0xffff, v63  }
0x93: {  	s0 =	sshll.u32 s25, $0x2  }
0x94: {  	s0 =	sadd.s32 s5, s0  }
0x95: {  	s1 =	sshll.u32 s0, $0x9;
	s0 =	sshll.u32 s0, $0x7  }
0x96: {  	s1 =	sand.u32 $0xFFF0000, s1;
	s0 =	sand.u32 $0x3E00, s0  }
0x97: {  	s0 =	sor.u32 s0, s1  }
0x98: {  	s1 =	sadd.s32 s2, s0  }
0x99: {  	s13 =	simm.s32 $0x10;
	s14 =	sadd.s32 $0x88, s28;
	s25 =	sadd.s32 $0x0, s1  }
.LBB2_10:
0x9a: {  	[hbm4b:s25+s3] =	stream.linear.scatter [tilespmem:s28], [sflag:$0x2], $0x80, $0x38;
	[tilespmem:$0x16C00] =	vst v63  }
0x9b: {  	s15 =	smov.u32 s13;
	s28 =	smov.u32 s14;
	p1 =	sne.s32 s13, $0x1F0  }
.Ltmp3:
0x9c: {  	s13 =	sadd.s32 $0x10, s13;
	(pc) =	sbr.rel @p1 .LBB2_10-.Ltmp3, $2  }
0x9d: {  	_ =	sdelay $0x2  }
0x9e: {  	s14 =	sadd.s32 $0x88, s14;
	s25 =	sadd.s32 s15, s1  }
0x9f: {  	[hbm4b:s25+s3] =	stream.linear.scatter [tilespmem:s28], [sflag:$0x2], $0x80, $0x38;
	[tilespmem:$0x16C00] =	vst v63  }
0xa0: {  	s1 =	sadd.s32 s0, s7  }
0xa1: {  	s13 =	simm.s32 $0x10;
	s14 =	sadd.s32 $0x88, s26;
	s25 =	sadd.s32 $0x0, s1  }
.LBB2_12:
0xa2: {  	[hbm4b:s25+s3] =	stream.linear.scatter [tilespmem:s26], [sflag:$0x2], $0x80, $0x38;
	[tilespmem:$0x16C00] =	vst v63  }
0xa3: {  	s15 =	smov.u32 s13;
	s26 =	smov.u32 s14;
	p1 =	sne.s32 s13, $0x1F0  }
.Ltmp4:
0xa4: {  	s13 =	sadd.s32 $0x10, s13;
	(pc) =	sbr.rel @p1 .LBB2_12-.Ltmp4, $2  }
0xa5: {  	_ =	sdelay $0x2  }
0xa6: {  	s14 =	sadd.s32 $0x88, s14;
	s25 =	sadd.s32 s15, s1  }
0xa7: {  	[hbm4b:s25+s3] =	stream.linear.scatter [tilespmem:s26], [sflag:$0x2], $0x80, $0x38;
	[tilespmem:$0x16C00] =	vst v63  }
0xa8: {  	s1 =	sadd.s32 s0, s8  }
0xa9: {  	s13 =	simm.s32 $0x10;
	s14 =	sadd.s32 $0x88, s24;
	s25 =	sadd.s32 $0x0, s1  }
.LBB2_14:
0xaa: {  	[hbm4b:s25+s3] =	stream.linear.scatter [tilespmem:s24], [sflag:$0x2], $0x80, $0x38;
	[tilespmem:$0x16C00] =	vst v63  }
0xab: {  	s15 =	smov.u32 s13;
	s24 =	smov.u32 s14;
	p1 =	sne.s32 s13, $0x1F0  }
.Ltmp5:
0xac: {  	s13 =	sadd.s32 $0x10, s13;
	(pc) =	sbr.rel @p1 .LBB2_14-.Ltmp5, $2  }
0xad: {  	_ =	sdelay $0x2  }
0xae: {  	s14 =	sadd.s32 $0x88, s14;
	s25 =	sadd.s32 s15, s1  }
0xaf: {  	[hbm4b:s25+s3] =	stream.linear.scatter [tilespmem:s24], [sflag:$0x2], $0x80, $0x38;
	[tilespmem:$0x16C00] =	vst v63  }
0xb0: {  	s0 =	sadd.s32 s0, s9  }
0xb1: {  	s1 =	simm.s32 $0x10;
	s13 =	sadd.s32 $0x88, s23;
	s14 =	sadd.s32 $0x0, s0  }
.LBB2_16:
0xb2: {  	[hbm4b:s14+s3] =	stream.linear.scatter [tilespmem:s23], [sflag:$0x2], $0x80, $0x38;
	[tilespmem:$0x16C00] =	vst v63  }
0xb3: {  	s14 =	smov.u32 s1;
	s23 =	smov.u32 s13;
	p1 =	seq.s32 s1, $0x1F0  }
.Ltmp6:
0xb4: {  	s1 =	sadd.s32 $0x10, s1;
	(pc) =	sbr.rel @!p1 .LBB2_16-.Ltmp6, $2  }
0xb5: {  	_ =	sdelay $0x2  }
0xb6: {  	s13 =	sadd.s32 $0x88, s13;
	s14 =	sadd.s32 s14, s0  }
0xb7: {  	[hbm4b:s14+s3] =	stream.linear.scatter [tilespmem:s23], [sflag:$0x2], $0x80, $0x38;
	[tilespmem:$0x16C00] =	vst v63  }
0xb8: {  	p1 =	seq.s32 s22, $0x32  }
.Ltmp7:
0xb9: {  	_ = 	snop;
	(pc) =	sbr.rel @!p1 .LBB2_3-.Ltmp7, $2  }
0xba: {  	_ =	sdelay $0x2  }
0xbb: {  	p0 =	por !p0, !p0;
	s25 =	smov.u32 s22  }
0xbc: {  	_ =	swait.ge [sflag:s20], $0x1000  }
0xbd: {  	[sflag:s20] =	ssyncset.done $0x0  }
0xbe: {  	[sflag:s20] =	ssyncadd.s32 $0xFFFFF000  }
0xbf: {  	_ =	swait.ge [sflag:s20], $0x1000  }
0xc0: {  	[sflag:s20] =	ssyncset.done $0x0  }
0xc1: {  	[sflag:s20] =	ssyncadd.s32 $0xFFFFF000  }
0xc2: {  	_ =	swait.ge [sflag:s20], $0x1000  }
0xc3: {  	[sflag:s20] =	ssyncset.done $0x0  }
0xc4: {  	[sflag:s20] =	ssyncadd.s32 $0xFFFFF000  }
0xc5: {  	_ =	swait.ge [sflag:s20], $0x1000  }
0xc6: {  	[sflag:s20] =	ssyncset.done $0x0  }
0xc7: {  	[sflag:s20] =	ssyncadd.s32 $0xFFFFF000  }
0xc8: {  	_ =	swait.ge [sflag:s20], $0x1000  }
0xc9: {  	[sflag:s20] =	ssyncset.done $0x0  }
0xca: {  	[sflag:s20] =	ssyncadd.s32 $0xFFFFF000  }
0xcb: {  	_ =	swait.ge [sflag:s20], $0x1000  }
0xcc: {  	[sflag:s20] =	ssyncset.done $0x0  }
0xcd: {  	s21 =	sadd.s32 $0x1, s21;
	[sflag:s20] =	ssyncadd.s32 $0xFFFFF000  }
0xce: {  	p0 =	sne.s32 s21, s10;
	_ =	swait.ge [sflag:s20], $0x1000  }
.Ltmp8:
0xcf: {  	[sflag:s20] =	ssyncset.done $0x0;
	(pc) =	sbr.rel @p0 .LBB2_1-.Ltmp8, $4  }
0xd0: {  	[sflag:s20] =	ssyncadd.s32 $0xFFFFF000  }
0xd1: {  	_ =	swait.ge [sflag:s20], $0x1000  }
0xd2: {  	[sflag:s20] =	ssyncset.done $0x0  }
0xd3: {  	[sflag:s20] =	ssyncadd.s32 $0xFFFFF000  }
0xd4: {  	_ =	sfence.sel $0x180000  }
0xd5: {  	[bflag:$0x0] =	sbarrier.arrive $0xFFFF  }
0xd6: {  	_ =	strace $0x9000004A  }
0xd7: {  	s0 =	stileid.u32;
	[bflag:$0x2] =	sbarrier.arrive $0xFFFF  }
0xd8: {  	p0 =	sne.s32 s0, $0x0;
	s0 =	rddreg [dreg:$0x2]  }
0xd9: {  	s0 =	sadd.s32 @!p0 $0x100000, s0  }
0xda: {  	[sflag:s0] =	ssyncadd.tile.s32 @!p0 $0x1;
	_ =	shalt  }
.Lfunc_end2:
_tile_overlayer_lowered:
.L_overlay_start_2:
0xdb: {  	(tag) =	ssettag $0x2  }
0xdc: {  	s0 =	rddreg [dreg:$0x0];
	s2 =	stileid.u32  }
0xdd: {  	s1 =	rddreg [dreg:$0x1];
	p0 =	sne.s32 s2, $0x0  }
0xde: {  	s3 =	rddreg [dreg:$0x2];
	[bflag:$0x3] =	sbarrier.arrive $0xFFFF;
	s2 =	simm.s32 @!p0 $0x1C03  }
0xdf: {  	[timem:s3], [sflag:s2] =	dma.local @!p0 [hbm:s0], s1  }
0xe0: {  	s0 =	simm.s32 @!p0 $0x3  }
0xe1: {  	_ =	swait.ge @!p0 [sflag:s0], s1  }
0xe2: {  	s1 =	ssub.s32 @!p0 $0x0, s1;
	[sflag:s0] =	ssyncset.done @!p0 $0x0  }
0xe3: {  	[sflag:s0] =	ssyncadd.s32 @!p0 s1  }
0xe4: {  	[bflag:$0x3] =	sbarrier.arrive $0xFFFF  }
0xe5: {  	_ =	shalt  }

// kernel: sparse-core-data-format-call.cloned.1.call-start
scs
called_computation_lowered:
.L_overlay_start_0:
0x0: {  	s2 =	sld [smem:$0x3FD9]  }
0x1: {  	s3 =	sld [smem:$0x3FFE];
	_ =	sdelay $0x1  }
0x2: {  	s1 =	srdreg.scid  }
0x3: {  	s0 =	sand.u32 $0x1, s1  }
0x4: {  	s18 =	sshll.u32 s0, $0xA;
	s2 =	sadd.s32 s3, s2  }
0x5: {  	s2 =	sadd.s32 s2, s18  }
0x6: {  	[smem:$0x3FC6] =	sst s2  }
0x7: {  	_ = 	snop  }
0x8: {  	s2 =	sld [smem:$0x3FC8];
	(tm) =	ssettm $0x1  }
0x9: {  	s19 =	sld [smem:$0x3FFB];
	_ =	sdelay $0x3  }
0xa: {  	_ =	strace s19  }
0xb: {  	s3 =	sld [smem:$0x3FFC];
	_ =	sdelay $0x3  }
0xc: {  	_ =	strace s3  }
0xd: {  	s3 =	sld [smem:$0x3FFD];
	_ =	sdelay $0x3  }
0xe: {  	_ =	strace s3  }
0xf: {  	_ =	strace $0x8FFFFFFF  }
0x10: {  	s20 =	sld [smem:$0x3FDB];
	_ =	sdelay $0x1  }
0x11: {  	s4 =	simm.s32 $_scs_section_size  }
0x12: {  	s5 =	simm.s32 $_size__tile_overlayer_lowered;
	s6 =	simm.s32 $_tile_overlayer_lowered  }
0x13: {  	s23 =	simm.s32 $0x1BFF;
	s22 =	sshll.u32 s6, $0x1;
	s3 =	sadd.s32 s4, s20  }
0x14: {  	s7 =	simm.s32 $0x0;
	s21 =	sshll.u32 s5, $0x1;
	s5 =	sadd.s32 s22, s3  }
0x15: {  	[timem:s7], [sflag:s23] =	dma.local [hbm:s5], s21  }
0x16: {  	_ =	swait.ge [sflag:s23], s21  }
0x17: {  	s4 =	ssub.s32 $0x0, s21;
	[sflag:s23] =	ssyncset.done $0x0  }
0x18: {  	[sflag:s23] =	ssyncadd.s32 s4;
	_ =	sdelay $0x1  }
0x19: {  	s24 =	simm.s32 $0x1B8B  }
0x1a: {  	_ =	swait.ge [sflag:s24], $0x1  }
0x1b: {  	[sflag:s24] =	ssyncset.done $0x0  }
0x1c: {  	s26 =	simm.s32 $0x1B8E;
	s25 =	sld [smem:$0x3FFE];
	[sflag:s24] =	ssyncadd.s32 $0xFFFFFFFF  }
0x1d: {  	s27 =	simm.s32 $execute0_lowered;
	[smem:$0x3FD2] =	sst s26  }
0x1e: {  	s5 =	sshll.u32 s27, $0x1;
	_ =	strace $0x80000046;
	[dreg:$0x1] =	wrdreg $0xFFFFFFFF  }
0x1f: {  	s28 =	simm.s32 $_size_execute0_lowered;
	s3 =	sadd.s32 s3, s5;
	[dreg:$0x0] =	wrdreg $0x0  }
0x20: {  	s5 =	sshll.u32 s28, $0x1;
	[dreg:$0x2] =	wrdreg s3  }
0x21: {  	[dreg:$0x3] =	wrdreg s5  }
0x22: {  	[dreg:$0x4] =	wrdreg $0xC0  }
0x23: {  	_ =	task [dreg:s7], $0x5FFFF  }
0x24: {  	[dreg:$0x1] =	wrdreg $0xFFFFFFFF  }
0x25: {  	[dreg:$0x0] =	wrdreg $0x60  }
0x26: {  	[dreg:$0x2] =	wrdreg s2  }
0x27: {  	[dreg:$0x3] =	wrdreg s25  }
0x28: {  	[dreg:$0x4] =	wrdreg $0x9  }
0x29: {  	_ =	task.clear_ibuf [dreg:s7], $0x5FFFF;
	_ =	strace $0x90000046  }
0x2a: {  	s29 =	simm.s32 $0x9;
	_ =	strace $0x80000048  }
0x2b: {  	_ =	swait.ge [sflag:s29], $0x1  }
0x2c: {  	[sflag:s29] =	ssyncadd.s32 $0xFFFFFFFF  }
0x2d: {  	_ =	strace $0x90000048  }
0x2e: {  	_ =	sfence  }
0x2f: {  	s30 =	sld [smem:$0x0];
	_ =	sdelay $0x2  }
0x30: {  	s31 =	sshll.u32 s1, $0xD;
	s1 =	sshrl.u32 s1, $0x2  }
0x31: {  	s3 =	sand.u32 $0x4000, s31;
	s1 =	sadd.s32 s1, s30  }
0x32: {  	s0 =	sor.u32 s3, s0;
	s1 =	sshll.u32 s1, $0x11  }
0x33: {  	s0 =	sor.u32 s1, s0  }
0x34: {  	s0 =	sadd.s32 $0x8F2B, s0  }
0x35: {  	[sflag:s0] =	ssyncadd.remote.s32 $0x1  }
0x36: {  	_ =	sfence.sel $0xFFFF  }
0x37: {  	[dreg:$0x0] =	wrdreg $0xFFFFFFFF;
	(pc) =	sbr.abs _section_cstart, $3  }
0x38: {  	[dreg:$0x1] =	wrdreg $0xFFFFFFFF  }
0x39: {  	_ =	task.clear_ibuf [dreg:s7], $0x2FFFF;
	_ =	strace $0x9FFFFFFF  }
0x3a: {  	(tm) =	ssettm $0x7FFFFFFF  }
0x3b: {  	_ =	shalt  }
tec
execute0_lowered:
.L_overlay_start_1:
0x0: {  	(tag) =	ssettag $0x1  }
0x1: {  	s0 =	srdreg.scid;
	s2 =	rddreg [dreg:$0x0]  }
0x2: {  	s5 =	rddreg [dreg:$0x1];
	s1 =	stileid.u32  }
0x3: {  	s4 =	simm.s32 $0x1;
	s6 =	simm.s32 $0x2;
	s15 =	simm.s32 $0x0  }
0x4: {  	p0 =	por $0x0, $0x0;
	s8 =	simm.s32 $0x80;
	s0 =	sshll.u32 s0, $0x4  }
0x5: {  	s14 =	simm.s32 $0x0;
	s9 =	simm.s32 $0x0;
	s3 =	sand.u32 $0x10, s0  }
.Ltmp0:
0x6: {  	s10 =	simm.s32 $0x0;
	s3 =	sor.u32 s1, s3;
	(pc) =	sbr.rel .LBB1_1-.Ltmp0, $4  }
0x7: {  	s0 =	rddreg [dreg:$0x2];
	_ =	strace $0x80000047;
	s3 =	sshll.u32 s3, $0x7  }
0x8: {  	s12 =	simm.s32 $0x0;
	[sflag:s4] =	ssyncpa.u1 $0x0;
	s7 =	ssub.s32 $0xF4200, s3  }
0x9: {  	s13 =	simm.s32 $0x0;
	[sflag:s6] =	ssyncpa.u1 $0x0;
	s6 =	sshrl.u32 s7, $0xC  }
0xa: {  	s5 =	sadd.s32 $0xA00, s5;
	s11 =	smov.u32 s3;
	s7 =	sadd.s32 $0x2, s6  }
.LBB1_5:
0xb: {  	p1 =	slt.u32 s13, $0x2  }
0xc: {  	s17 =	smov.u32 s15;
	p2 =	sgt.s32 @!p1 s15, $0xF41C0;
	s16 =	sshra.s32 @!p1 s15, $0x1F  }
0xd: {  	p3 =	sgt.s32 @!p1 s14, $0x60;
	s18 =	sshra.s32 @!p1 s14, $0x1F;
	p2 =	por !p2, p1  }
0xe: {  	s15 =	sand.u32 @!p1 s16, s15;
	p3 =	por !p3, p1;
	s16 =	smov.u32 s14  }
0xf: {  	s14 =	sand.u32 @!p1 s18, s14;
	s17 =	simm.s32 @p2 $0xF41C0;
	s16 =	simm.s32 @p3 $0x60  }
0x10: {  	s15 =	ssub.s32 @!p1 s17, s15;
	s14 =	ssub.s32 @!p1 s16, s14  }
0x11: {  	s18 =	smov.u32 s12;
	s16 =	sadd.s32 @!p1 $0xFFF0BE40, s15;
	s17 =	sadd.s32 @!p1 $0xFFFFFFA0, s14  }
0x12: {  	s15 =	ssub.s32 @!p1 $0xF4240, s15;
	p2 =	sgt.s32 @!p1 s16, $0x7F;
	p3 =	sgt.s32 @!p1 s17, $0x1F  }
0x13: {  	s14 =	ssub.s32 @!p1 $0x80, s14;
	p2 =	por !p2, p1;
	p3 =	por !p3, p1  }
0x14: {  	s16 =	sadd.s32 $0x1000, s11;
	s15 =	simm.s32 @!p2 $0x0;
	s14 =	simm.s32 @!p3 $0x0  }
0x15: {  	p2 =	sgt.s32 s16, $0xF423F;
	s14 =	smul.u32 @!p1 s14, s15;
	s15 =	sadd.s32 $0x20, s12  }
0x16: {  	s18 =	smov.u32 @p2 s15  }
0x17: {  	s16 =	smov.u32 @p2 s3;
	p2 =	sgt.s32 s18, $0x1F  }
0x18: {  	s18 =	simm.s32 @p2 $0x0;
	p2 =	sne.s32 s13, s7  }
.Ltmp1:
0x19: {  	p0 =	por !p0, !p0;
	s17 =	simm.s32 @!p1 $0x2;
	(pc) =	sbr.rel @!p2 .LBB1_6-.Ltmp1, $4  }
0x1a: {  	s15 =	smov.u32 s9;
	s9 =	smov.u32 s11;
	s14 =	sand.u32 @!p1 $0x3FFFFFFF, s14  }
0x1b: {  	s11 =	smov.u32 s16;
	_ =	swait.ge @!p1 [sflag:s17], s14;
	s19 =	ssub.s32 @!p1 $0x0, s14  }
0x1c: {  	s14 =	smov.u32 s10;
	s13 =	sadd.s32 $0x1, s13;
	[sflag:s17] =	ssyncset.done @!p1 $0x0  }
0x1d: {  	s10 =	smov.u32 s12;
	s12 =	smov.u32 s18;
	[sflag:s17] =	ssyncadd.s32 @!p1 s19  }
.LBB1_1:
0x1e: {  	p1 =	sgt.u32 s13, s6  }
0x1f: {  	s16 =	sshrl.u32 @!p1 s12, $0x3  }
0x20: {  	s17 =	sshll.u32 @!p1 s11, $0x3;
	s16 =	smul.u32 @!p1 $0x7A1400, s16  }
0x21: {  	s18 =	sshll.u32 @!p1 s12, $0x7;
	s17 =	sand.u32 @!p1 $0xFFFFFC00, s17  }
0x22: {  	s16 =	sadd.s32 @!p1 s16, s17;
	s17 =	sand.u32 @!p1 $0x380, s18  }
0x23: {  	s18 =	sand.u32 @!p1 $0x7F, s11;
	s16 =	sor.u32 @!p1 s17, s16  }
0x24: {  	s17 =	sor.u32 @!p1 s18, s16  }
0x25: {  	s18 =	smulhi.u32 @!p1 $0x218D6287, s17;
	_ =	sdelay $0x1  }
0x26: {  	s16 =	smulhi.u32 @!p1 $0x218D6287, s16;
	s18 =	sshrl.u32 @!p1 s18, $0x11  }
0x27: {  	s18 =	smul.u32 @!p1 $0xF4280, s18  }
0x28: {  	s19 =	sxor.u32 @!p1 $0xFFFFFFFF, s13;
	s16 =	sshrl.u32 @!p1 s16, $0x11  }
0x29: {  	s19 =	sshll.u32 @!p1 s19, $0xC;
	s16 =	sand.u32 @!p1 $0x1F, s16;
	s17 =	ssub.s32 @!p1 s17, s18  }
0x2a: {  	s16 =	smul.u32 @!p1 $0x1E850, s16;
	s18 =	sshrl.u32 @!p1 s17, $0x3;
	s17 =	sand.u32 @!p1 $0x7, s17  }
0x2b: {  	s19 =	sand.u32 @!p1 $0x1000, s19;
	s18 =	sadd.s32 @!p1 s2, s18;
	s17 =	sshll.u32 @!p1 s17, $0x12  }
0x2c: {  	s16 =	sadd.s32 @!p1 s16, s18;
	s17 =	sor.u32 @!p1 $0x400, s17;
	s18 =	simm.s32 @!p1 $0x7A1400  }
0x2d: {  	[tilespmem:s19], [sflag:$0x1] =	stream.strided.gather @!p1 [hbm4b:s16+s17], $0x1000, s18, s17, $0x38;
	[tilespmem:$0x4100] =	vst v63  }
0x2e: {  	p1 =	seq.s32 s13, $0x0  }
0x2f: {  	p2 =	sge.u32 @!p1 s13, s7  }
0x30: {  	p1 =	por p1, p2  }
.Ltmp2:
0x31: {  	_ = 	snop;
	(pc) =	sbr.rel @p1 .LBB1_5-.Ltmp2, $1  }
0x32: {  	_ =	sdelay $0x3  }
0x33: {  	s16 =	simm.s32 $0x1  }
0x34: {  	_ =	swait.ge [sflag:s4], $0x1000;
	s16 =	simm.s32 @!p0 $0x0  }
0x35: {  	[sflag:s4] =	ssyncset.done $0x0;
	s17 =	sshll.u32 s16, $0xC  }
0x36: {  	[sflag:s4] =	ssyncadd.s32 $0xFFFFF000;
	s17 =	sor.u32 $0x40, s17  }
0x37: {  	s16 =	smul.u32 $0x4200, s16;
	v0 =	vld [tilespmem:s17+$0x30]  }
0x38: {  	v1 =	vld [tilespmem:s17+$0xFFFFFFD0]  }
0x39: {  	s16 =	sshrl.u32 s16, $0x2;
	v5 =	vld [tilespmem:s17+$0xFFFFFFE0]  }
0x3a: {  	v6 =	vld [tilespmem:s17+$0xFFFFFFF0];
	s19 =	sor.u32 $0x2000, s16  }
0x3b: {  	s31 =	sand.u32 $0x1, s13;
	v4 =	vld [tilespmem:s17+$0x0];
	s18 =	sadd.s32 $0x0, s19  }
0x3c: {  	v3 =	vld [tilespmem:s17+$0x10];
	s16 =	smul.u32 $0x4200, s31;
	[tilespmem:s18+$0xE70 ss:$0x21] =	vst.msk $0xffff, v0  }
0x3d: {  	v2 =	vld [tilespmem:s17+$0x20];
	[tilespmem:s18+$0x210 ss:$0x21] =	vst.msk $0xffff, v1  }
0x3e: {  	s16 =	sshrl.u32 s16, $0x2;
	v1 =	vld [tilespmem:s17+$0xFFFFFFC0];
	[tilespmem:s18+$0x420 ss:$0x21] =	vst.msk $0xffff, v5;
	s17 =	sadd.s32 $0x80, s17  }
0x3f: {  	s20 =	simm.s32 $0x4;
	s21 =	simm.s32 $0x8;
	s16 =	sor.u32 $0x2000, s16;
	[tilespmem:s18+$0x630 ss:$0x21] =	vst.msk $0xffff, v6;
	v0 =	vld [tilespmem:s17+$0x30]  }
.LBB1_3:
0x40: {  	p1 =	sne.s32 s21, $0x7C;
	v5 =	vld [tilespmem:s17+$0xFFFFFFD0];
	[tilespmem:s18+$0x840 ss:$0x21] =	vst.msk $0xffff, v4  }
0x41: {  	v6 =	vld [tilespmem:s17+$0xFFFFFFE0];
	[tilespmem:s18+$0xA50 ss:$0x21] =	vst.msk $0xffff, v3  }
0x42: {  	s22 =	sshra.s32 s20, $0x2;
	s20 =	smov.u32 s21;
	v7 =	vld [tilespmem:s17+$0xFFFFFFF0];
	[tilespmem:s18+$0xC60 ss:$0x21] =	vst.msk $0xffff, v2  }
.Ltmp3:
0x43: {  	v4 =	vld [tilespmem:s17+$0x0];
	[tilespmem:s18+$0x0 ss:$0x21] =	vst.msk $0xffff, v1;
	s18 =	sadd.s32 s22, s19;
	(pc) =	sbr.rel @p1 .LBB1_3-.Ltmp3, $4  }
0x44: {  	v3 =	vld [tilespmem:s17+$0x10];
	[tilespmem:s18+$0xE70 ss:$0x21] =	vst.msk $0xffff, v0  }
0x45: {  	[tilespmem:s18+$0x210 ss:$0x21] =	vst.msk $0xffff, v5;
	v2 =	vld [tilespmem:s17+$0x20]  }
0x46: {  	v1 =	vld [tilespmem:s17+$0xFFFFFFC0];
	[tilespmem:s18+$0x420 ss:$0x21] =	vst.msk $0xffff, v6;
	s17 =	sadd.s32 $0x80, s17  }
0x47: {  	s21 =	sadd.s32 $0x4, s21;
	v0 =	vld [tilespmem:s17+$0x30];
	[tilespmem:s18+$0x630 ss:$0x21] =	vst.msk $0xffff, v7  }
0x48: {  	s21 =	sshll.u32 s9, $0x7;
	s22 =	sshll.u32 s10, $0x3;
	s20 =	sshra.s32 s20, $0x2  }
0x49: {  	p1 =	sgt.s32 s9, $0xF41C0;
	s30 =	sshra.s32 s9, $0x1F;
	s25 =	sshra.s32 s10, $0x1F  }
0x4a: {  	v5 =	vld [tilespmem:s17+$0xFFFFFFD0];
	s28 =	sshrl.u32 s10, $0x3;
	s23 =	sand.u32 $0xFFFFFC00, s21;
	s22 =	sand.u32 $0xFFFFFC00, s22  }
0x4b: {  	[tilespmem:s18+$0x840 ss:$0x21] =	vst.msk $0xffff, v4;
	v58 =	vld [tilespmem:s17+$0xFFFFFFE0];
	s21 =	sand.u32 $0x380, s21;
	s19 =	sadd.s32 s20, s19;
	s22 =	sadd.s32 s22, s23  }
0x4c: {  	v59 =	vld [tilespmem:s17+$0xFFFFFFF0];
	[tilespmem:s18+$0xA50 ss:$0x21] =	vst.msk $0xffff, v3;
	s29 =	sor.u32 s21, s22;
	s21 =	smov.u32 s9;
	s22 =	sand.u32 s30, s9  }
0x4d: {  	v60 =	vld [tilespmem:s17+$0x0];
	[tilespmem:s18+$0xC60 ss:$0x21] =	vst.msk $0xffff, v2;
	s30 =	sand.u32 $0x7, s10;
	s20 =	sshrl.u32 s29, $0x7;
	s21 =	simm.s32 @!p1 $0xF41C0  }
0x4e: {  	v61 =	vld [tilespmem:s17+$0x10];
	[tilespmem:s18+$0x0 ss:$0x21] =	vst.msk $0xffff, v1;
	p1 =	sgt.s32 s10, $0x60;
	s24 =	ssub.s32 s21, s22;
	s21 =	smov.u32 s10  }
0x4f: {  	v62 =	vld [tilespmem:s17+$0x20];
	[tilespmem:s19+$0xE70 ss:$0x21] =	vst.msk $0xffff, v0;
	s31 =	smulhi.u32 $0x218DEF5, s20;
	s22 =	sand.u32 s25, s10;
	s21 =	simm.s32 @!p1 $0x60  }
0x50: {  	v63 =	vld [tilespmem:s17+$0xFFFFFFC0];
	[tilespmem:s19+$0x210 ss:$0x21] =	vst.msk $0xffff, v5;
	s26 =	sadd.s32 $0xFFF0BE40, s24;
	s17 =	ssub.s32 $0xF4240, s24;
	s21 =	ssub.s32 s21, s22  }
0x51: {  	[tilespmem:s19+$0x420 ss:$0x21] =	vst.msk $0xffff, v58;
	s23 =	sshrl.u32 s31, $0xD;
	p1 =	sgt.s32 s26, $0x7F;
	s27 =	sadd.s32 $0xFFFFFFA0, s21  }
0x52: {  	[tilespmem:s19+$0x630 ss:$0x21] =	vst.msk $0xffff, v59;
	s23 =	smul.u32 $0xF4240, s23;
	s18 =	ssub.s32 $0x80, s21;
	p2 =	sgt.s32 s27, $0x1F  }
.Ltmp4:
0x53: {  	[tilespmem:s19+$0x840 ss:$0x21] =	vst.msk $0xffff, v60;
	s17 =	simm.s32 @p1 $0x0;
	s18 =	simm.s32 @p2 $0x0;
	(pc) =	sbr.rel .LBB1_5-.Ltmp4, $4  }
0x54: {  	s29 =	sand.u32 $0xF, s28;
	[tilespmem:s19+$0xA50 ss:$0x21] =	vst.msk $0xffff, v61;
	s20 =	ssub.s32 s20, s23;
	s17 =	smul.u32 s18, s17  }
0x55: {  	[tilespmem:s19+$0xC60 ss:$0x21] =	vst.msk $0xffff, v62;
	s21 =	sshll.u32 s30, $0x12;
	s20 =	sshll.u32 s20, $0x4;
	s18 =	sadd.s32 s5, s29  }
0x56: {  	[tilespmem:s19+$0x0 ss:$0x21] =	vst.msk $0xffff, v63;
	s31 =	sor.u32 $0x20, s21;
	s18 =	sadd.s32 s20, s18;
	s17 =	sand.u32 $0x3FFFFFFF, s17  }
0x57: {  	[hbm4b:s18+s31] =	stream.strided.scatter [tilespmem:s16], [sflag:$0x2], s17, s8, s31, $0x10;
	[tilespmem:$0x4100] =	vst v63  }
.LBB1_6:
0x58: {  	_ =	sfence.sel $0x180000  }
0x59: {  	s2 =	simm.s32 $0x1;
	[bflag:$0x0] =	sbarrier.arrive $0xFFFF  }
0x5a: {  	s31 =	simm.s32 $0x2;
	[sflag:s2] =	ssyncpa.u1 $0x1  }
0x5b: {  	[sflag:s31] =	ssyncpa.u1 $0x1  }
0x5c: {  	p0 =	sne.s32 s1, $0x0;
	_ =	strace $0x90000047  }
0x5d: {  	s0 =	sadd.s32 @!p0 $0x100000, s0;
	[bflag:$0x2] =	sbarrier.arrive $0xFFFF  }
0x5e: {  	[sflag:s0] =	ssyncadd.tile.s32 @!p0 $0x1;
	_ =	shalt  }
.Lfunc_end1:
_tile_overlayer_lowered:
.L_overlay_start_2:
0x5f: {  	(tag) =	ssettag $0x2  }
0x60: {  	s0 =	rddreg [dreg:$0x0];
	s2 =	stileid.u32  }
0x61: {  	s1 =	rddreg [dreg:$0x1];
	p0 =	sne.s32 s2, $0x0  }
0x62: {  	s3 =	rddreg [dreg:$0x2];
	[bflag:$0x3] =	sbarrier.arrive $0xFFFF;
	s2 =	simm.s32 @!p0 $0x1C01  }
0x63: {  	[timem:s3], [sflag:s2] =	dma.local @!p0 [hbm:s0], s1  }
0x64: {  	s0 =	simm.s32 @!p0 $0x1  }
0x65: {  	_ =	swait.ge @!p0 [sflag:s0], s1  }
0x66: {  	s1 =	ssub.s32 @!p0 $0x0, s1;
	[sflag:s0] =	ssyncset.done @!p0 $0x0  }
0x67: {  	[sflag:s0] =	ssyncadd.s32 @!p0 s1  }
0x68: {  	[bflag:$0x3] =	sbarrier.arrive $0xFFFF  }
0x69: {  	_ =	shalt  }

</sc_bundles>
